<compile_context>
chip_gen: v7x
topology: tpu7x:2x2x1
jax: 0.10.2.dev20260603
libtpu: 0.0.44.dev20260713+nightly
codegen_flags: <defaults>
</compile_context>

<pallas_src>
import functools

import jax
import jax.numpy as jnp
from jax import lax
from jax.experimental import pallas as pl
from jax.experimental.pallas import tpu as pltpu
from jax.experimental.pallas import tpu_sc as plsc

V = 1000
S = 50
NC = 2
NS = 16
NW = NC * NS
Q = 4
CB = 32

mesh = plsc.VectorSubcoreMesh(core_axis_name="c", subcore_axis_name="s")


@functools.partial(
    pl.kernel,
    mesh=mesh,
    compiler_params=pltpu.CompilerParams(
        use_tc_tiling_on_sc=False, needs_layout_passes=False
    ),
    out_type=jax.ShapeDtypeStruct((S, V // 8, 8, 8, 128), jnp.float32),
    scratch_types=[
        pltpu.VMEM((S, CB), jnp.int32),
        pltpu.VMEM((CB, V), jnp.float32),
        pltpu.VMEM((CB, V), jnp.float32),
        pltpu.VMEM((V // 8, 8, CB), jnp.float32),
        pltpu.VMEM((V // 8, 8, CB), jnp.float32),
        pltpu.SemaphoreType.DMA,
        pltpu.SemaphoreType.DMA,
        pltpu.SemaphoreType.DMA,
        pltpu.SemaphoreType.DMA,
    ],
)
def _bigram(tokT, table, out, idxbuf, rows0, rows1, tbuf0, tbuf1, semg0, semg1, semw0, semw1):
    wid = lax.axis_index("s") * NC + lax.axis_index("c")
    bt = wid // Q
    q = wid % Q
    col0 = bt * 128 + q * CB

    pltpu.sync_copy(tokT.at[:, pl.ds(col0, CB)], idxbuf)

    def gather_start(k, rows, semg):
        pltpu.async_copy(table.at[idxbuf.at[k]], rows, semg)

    def gather_wait(k, rows, semg):
        pltpu.make_async_copy(table.at[idxbuf.at[k]], rows, semg).wait()

    def out_ref(s):
        return out.at[s, :, bt, :, pl.ds(q * CB, CB)]

    iota = lax.iota(jnp.int32, 16)

    def transpose(rows, tbuf):
        @plsc.parallel_loop(0, V // 8, unroll=2)
        def tbody(vt):
            for vi in range(8):
                colv = jnp.zeros((16,), jnp.int32) + (vt * 8 + vi)
                for half in range(2):
                    vals = plsc.load_gather(rows, [iota + half * 16, colv])
                    tbuf[vt, vi, pl.ds(half * 16, 16)] = vals

    gather_start(0, rows0, semg0)

    def body(j, _):
        for b, (cur, semc, nxt, semn, tbuf, semw) in enumerate(
            (
                (rows0, semg0, rows1, semg1, tbuf0, semw0),
                (rows1, semg1, rows0, semg0, tbuf1, semw1),
            )
        ):
            k = j * 2 + b
            gather_wait(k, cur, semc)

            @pl.when(k < S - 1)
            def _():
                gather_start(k + 1, nxt, semn)

            @pl.when(j > 0)
            def _():
                pltpu.make_async_copy(tbuf, out_ref(jnp.maximum(k - 2, 0)), semw).wait()

            transpose(cur, tbuf)
            pltpu.async_copy(tbuf, out_ref(k), semw)
        return 0

    lax.fori_loop(0, S // 2, body, 0)
    pltpu.make_async_copy(tbuf0, out_ref(S - 2), semw0).wait()
    pltpu.make_async_copy(tbuf1, out_ref(S - 1), semw1).wait()


def kernel(tokens, lookup_table):
    b, s = tokens.shape
    tokT = tokens.T.astype(jnp.int32)
    x5 = _bigram(tokT, lookup_table)
    return jnp.transpose(x5, (2, 4, 0, 1, 3)).reshape(b, s, V)

# --- scband reference (transcript-rebuilt; emitter-appended) ---
"""Pipeline reference for scband-bigram-language-model-249108103530 (READ-ONLY COPY).

The authoritative reference and input builder live on the scoring server;
editing this copy changes nothing except your own understanding.
"""

import jax, jax.numpy as jnp
import numpy as np

VOCAB_SIZE = 1000
BATCH = 1024
SEQ = 50

def setup_inputs(seed: int = 0) -> dict:
    key = jax.random.key(seed)
    k_tok, k_tab = jax.random.split(key)
    tokens = jax.random.randint(k_tok, (BATCH, SEQ), 0, VOCAB_SIZE, dtype=jnp.int64 if jax.config.read('jax_enable_x64') else jnp.int32)
    # nn.Embedding default init: N(0, 1)
    lookup_table = jax.random.normal(k_tab, (VOCAB_SIZE, VOCAB_SIZE), dtype=jnp.float32)
    return {"tokens": tokens, "lookup_table": lookup_table}

def reference(tokens, lookup_table):
    # BigramLanguageModel.forward: logits = self.lookup_table(tokens)
    logits = jnp.take(lookup_table, tokens, axis=0)
    return logits

if __name__ == "__main__":
    import jax
    _d = setup_inputs()
    print(jax.jit(kernel)(*tuple(_d.values())))

</pallas_src>

<mosaic_0001>
#map = affine_map<(d0, d1) -> (0, 0)>
#map1 = affine_map<(d0, d1) -> (0, 0, 0, 0, 0)>
module attributes {stable_mosaic.version = 14 : i64} {
  func.func @_bigram(%arg0: i32, %arg1: i32, %arg2: memref<50x1024xi32, #tpu.memory_space<hbm>>, %arg3: memref<1000x1000xf32, #tpu.memory_space<hbm>>, %arg4: memref<50x125x8x8x128xf32, #tpu.memory_space<hbm>>, %arg5: memref<50x32xi32, #tpu.memory_space<vmem>>, %arg6: memref<32x1000xf32, #tpu.memory_space<vmem>>, %arg7: memref<32x1000xf32, #tpu.memory_space<vmem>>, %arg8: memref<125x8x32xf32, #tpu.memory_space<vmem>>, %arg9: memref<125x8x32xf32, #tpu.memory_space<vmem>>, %arg10: memref<!tpu.dma_semaphore, #tpu.memory_space<semaphore_mem>>, %arg11: memref<!tpu.dma_semaphore, #tpu.memory_space<semaphore_mem>>, %arg12: memref<!tpu.dma_semaphore, #tpu.memory_space<semaphore_mem>>, %arg13: memref<!tpu.dma_semaphore, #tpu.memory_space<semaphore_mem>>) attributes {dimension_semantics = [#tpu.dimension_semantics<core_parallel>, #tpu.dimension_semantics<subcore_parallel>], iteration_bounds = array<i64: 2, 16>, scalar_prefetch = 0 : i64, scratch_operands = 9 : i64, tpu.core_type = #tpu.core_type<sc_vector_subcore>, window_params = [{transform_indices = #map}, {transform_indices = #map}, {transform_indices = #map1}]} {
    %mul3A = arith.constant 2 : i32
    %mul3A_0 = arith.muli %arg1, %mul3A : i32
    %add3A = arith.addi %mul3A_0, %arg0 : i32
    %jit3A = arith.constant 4 : i32
    %div3A = arith.divsi %add3A, %jit3A : i32
    %sign3A = arith.constant 0 : i32
    %sign3A_1 = arith.cmpi sgt, %add3A, %sign3A : i32
    %sign3A_2 = arith.extui %sign3A_1 : i1 to i32
    %sign3A_3 = arith.constant 0 : i32
    %sign3A_4 = arith.cmpi slt, %add3A, %sign3A_3 : i32
    %sign3A_5 = arith.extui %sign3A_4 : i1 to i32
    %sign3A_6 = arith.subi %sign3A_2, %sign3A_5 : i32
    %sign3A_7 = arith.constant 0 : i32
    %sign3A_8 = arith.cmpi sgt, %jit3A, %sign3A_7 : i32
    %sign3A_9 = arith.extui %sign3A_8 : i1 to i32
    %sign3A_10 = arith.constant 0 : i32
    %sign3A_11 = arith.cmpi slt, %jit3A, %sign3A_10 : i32
    %sign3A_12 = arith.extui %sign3A_11 : i1 to i32
    %sign3A_13 = arith.subi %sign3A_9, %sign3A_12 : i32
    %ne3A = arith.cmpi ne, %sign3A_6, %sign3A_13 : i32
    %rem3A = arith.remsi %add3A, %jit3A : i32
    %ne3A_14 = arith.constant 0 : i32
    %ne3A_15 = arith.cmpi ne, %rem3A, %ne3A_14 : i32
    %and3A = arith.andi %ne3A, %ne3A_15 : i1
    %sub3A = arith.constant 1 : i32
    %sub3A_16 = arith.subi %div3A, %sub3A : i32
    %select_n3A = arith.select %and3A, %sub3A_16, %div3A : i32
    %jit3A_17 = arith.constant 4 : i32
    %eq3A = arith.constant 0 : i32
    %eq3A_18 = arith.cmpi eq, %jit3A_17, %eq3A : i32
    %jit3A_19 = arith.constant 1 : i32
    %select_n3A_20 = arith.select %eq3A_18, %jit3A_19, %jit3A_17 : i32
    %rem3A_21 = arith.remsi %add3A, %select_n3A_20 : i32
    %ne3A_22 = arith.constant 0 : i32
    %ne3A_23 = arith.cmpi ne, %rem3A_21, %ne3A_22 : i32
    %lt3A = arith.constant 0 : i32
    %lt3A_24 = arith.cmpi slt, %rem3A_21, %lt3A : i32
    %lt3A_25 = arith.constant 0 : i32
    %lt3A_26 = arith.cmpi slt, %select_n3A_20, %lt3A_25 : i32
    %ne3A_27 = arith.xori %lt3A_24, %lt3A_26 : i1
    %and3A_28 = arith.andi %ne3A_27, %ne3A_23 : i1
    %add3A_29 = arith.addi %rem3A_21, %select_n3A_20 : i32
    %select_n3A_30 = arith.select %and3A_28, %add3A_29, %rem3A_21 : i32
    %mul3A_31 = arith.constant 128 : i32
    %mul3A_32 = arith.muli %select_n3A, %mul3A_31 : i32
    %mul3A_33 = arith.constant 32 : i32
    %mul3A_34 = arith.muli %select_n3A_30, %mul3A_33 : i32
    %add3A_35 = arith.addi %mul3A_32, %mul3A_34 : i32
    "tpu.region"() ({
      %run_scoped3A = tpu.sem_alloc : memref<!tpu.dma_semaphore, #tpu.memory_space<semaphore_mem>>
      %dma_start3A_69 = arith.constant 0 : i32
      %dma_start3A_70 = tpu.memref_slice %arg2[%dma_start3A_69, %add3A_35] : memref<50x1024xi32, #tpu.memory_space<hbm>> -> memref<50x32xi32, #tpu.memory_space<hbm>>
      %dma_start3A_71 = arith.constant 0 : i32
      %dma_start3A_72 = tpu.memref_slice %arg2[%dma_start3A_71, %add3A_35] : memref<50x1024xi32, #tpu.memory_space<hbm>> -> memref<50x32xi32, #tpu.memory_space<hbm>>
      tpu.enqueue_dma source(%dma_start3A_72 : memref<50x32xi32, #tpu.memory_space<hbm>>) target(%arg5 : memref<50x32xi32, #tpu.memory_space<vmem>>) target_semaphore(%run_scoped3A : memref<!tpu.dma_semaphore, #tpu.memory_space<semaphore_mem>>)
      %dma_wait3A_73 = arith.constant 0 : i32
      %dma_wait3A_74 = tpu.memref_slice %arg2[%dma_wait3A_73, %add3A_35] : memref<50x1024xi32, #tpu.memory_space<hbm>> -> memref<50x32xi32, #tpu.memory_space<hbm>>
      %dma_wait3A_75 = arith.constant 0 : i32
      %dma_wait3A_76 = tpu.memref_slice %arg2[%dma_wait3A_75, %add3A_35] : memref<50x1024xi32, #tpu.memory_space<hbm>> -> memref<50x32xi32, #tpu.memory_space<hbm>>
      tpu.wait_dma2 semaphore(%run_scoped3A : memref<!tpu.dma_semaphore, #tpu.memory_space<semaphore_mem>>) src(%dma_wait3A_76 : memref<50x32xi32, #tpu.memory_space<hbm>>) dst(%arg5 : memref<50x32xi32, #tpu.memory_space<vmem>>)
      tpu.yield
    }) : () -> ()
    %iota3A = tpu.iota {dimensions = array<i32: 0>} : vector<16xi32>
    %dma_start3A = arith.constant 0 : i32
    %dma_start3A_36 = arith.constant 0 : i32
    %dma_start3A_37 = tpu.memref_slice %arg5[%dma_start3A, %dma_start3A_36] : memref<50x32xi32, #tpu.memory_space<vmem>> -> memref<1x32xi32, #tpu.memory_space<vmem>>
    %dma_start3A_38 = tpu.memref_squeeze %dma_start3A_37 : memref<1x32xi32, #tpu.memory_space<vmem>> -> memref<32xi32, #tpu.memory_space<vmem>>
    %dma_start3A_39 = arith.constant 0 : i32
    %dma_start3A_40 = arith.constant 0 : i32
    %dma_start3A_41 = tpu.memref_slice %arg3[%dma_start3A_39, %dma_start3A_40] : memref<1000x1000xf32, #tpu.memory_space<hbm>> -> memref<1000x1000xf32, #tpu.memory_space<hbm>>
    tpu.enqueue_indirect_dma source(%dma_start3A_41 : memref<1000x1000xf32, #tpu.memory_space<hbm>>) target(%arg6 : memref<32x1000xf32, #tpu.memory_space<vmem>>) offsets(%dma_start3A_38 : memref<32xi32, #tpu.memory_space<vmem>>) semaphore(%arg10 : memref<!tpu.dma_semaphore, #tpu.memory_space<semaphore_mem>>)
    %scan3A = arith.constant 0 : i32
    %scan3A_42 = arith.constant 0 : i32
    %scan3A_43 = arith.constant 25 : i32
    %scan3A_44 = arith.addi %scan3A_42, %scan3A_43 : i32
    %scan3A_45 = arith.constant 1 : i32
    %scan3A_46 = scf.for %scan3A_69 = %scan3A_42 to %scan3A_44 step %scan3A_45 iter_args(%scan3A_70 = %scan3A) -> (i32)  : i32 {
      %mul3A_71 = arith.constant 2 : i32
      %mul3A_72 = arith.muli %scan3A_69, %mul3A_71 : i32
      %add3A_73 = arith.constant 0 : i32
      %add3A_74 = arith.addi %mul3A_72, %add3A_73 : i32
      %dma_wait3A_75 = arith.constant 0 : i32
      %dma_wait3A_76 = tpu.memref_slice %arg5[%add3A_74, %dma_wait3A_75] : memref<50x32xi32, #tpu.memory_space<vmem>> -> memref<1x32xi32, #tpu.memory_space<vmem>>
      %dma_wait3A_77 = tpu.memref_squeeze %dma_wait3A_76 : memref<1x32xi32, #tpu.memory_space<vmem>> -> memref<32xi32, #tpu.memory_space<vmem>>
      %dma_wait3A_78 = arith.constant 0 : i32
      %dma_wait3A_79 = arith.constant 0 : i32
      %dma_wait3A_80 = tpu.memref_slice %arg3[%dma_wait3A_78, %dma_wait3A_79] : memref<1000x1000xf32, #tpu.memory_space<hbm>> -> memref<1000x1000xf32, #tpu.memory_space<hbm>>
      tpu.wait_indirect_dma semaphore(%arg10 : memref<!tpu.dma_semaphore, #tpu.memory_space<semaphore_mem>>) src(%dma_wait3A_80 : memref<1000x1000xf32, #tpu.memory_space<hbm>>) dst(%arg6 : memref<32x1000xf32, #tpu.memory_space<vmem>>)
      %lt3A_81 = arith.constant 49 : i32
      %lt3A_82 = arith.cmpi slt, %add3A_74, %lt3A_81 : i32
      %convert_element_type3A = arith.extui %lt3A_82 : i1 to i32
      %cond3A = arith.constant 0 : i32
      %cond3A_83 = arith.cmpi ne, %convert_element_type3A, %cond3A : i32
      scf.if %cond3A_83 {
        %add3A_134 = arith.constant 1 : i32
        %add3A_135 = arith.addi %add3A_74, %add3A_134 : i32
        %dma_start3A_136 = arith.constant 0 : i32
        %dma_start3A_137 = tpu.memref_slice %arg5[%add3A_135, %dma_start3A_136] : memref<50x32xi32, #tpu.memory_space<vmem>> -> memref<1x32xi32, #tpu.memory_space<vmem>>
        %dma_start3A_138 = tpu.memref_squeeze %dma_start3A_137 : memref<1x32xi32, #tpu.memory_space<vmem>> -> memref<32xi32, #tpu.memory_space<vmem>>
        %dma_start3A_139 = arith.constant 0 : i32
        %dma_start3A_140 = arith.constant 0 : i32
        %dma_start3A_141 = tpu.memref_slice %arg3[%dma_start3A_139, %dma_start3A_140] : memref<1000x1000xf32, #tpu.memory_space<hbm>> -> memref<1000x1000xf32, #tpu.memory_space<hbm>>
        tpu.enqueue_indirect_dma source(%dma_start3A_141 : memref<1000x1000xf32, #tpu.memory_space<hbm>>) target(%arg7 : memref<32x1000xf32, #tpu.memory_space<vmem>>) offsets(%dma_start3A_138 : memref<32xi32, #tpu.memory_space<vmem>>) semaphore(%arg11 : memref<!tpu.dma_semaphore, #tpu.memory_space<semaphore_mem>>)
      } else {
      }
      %gt3A = arith.constant 0 : i32
      %gt3A_84 = arith.cmpi sgt, %scan3A_69, %gt3A : i32
      %convert_element_type3A_85 = arith.extui %gt3A_84 : i1 to i32
      %cond3A_86 = arith.constant 0 : i32
      %cond3A_87 = arith.cmpi ne, %convert_element_type3A_85, %cond3A_86 : i32
      scf.if %cond3A_87 {
        %sub3A_134 = arith.constant 2 : i32
        %sub3A_135 = arith.subi %add3A_74, %sub3A_134 : i32
        %max3A = arith.constant 0 : i32
        %max3A_136 = arith.maxsi %sub3A_135, %max3A : i32
        %mul3A_137 = arith.constant 32 : i32
        %mul3A_138 = arith.muli %select_n3A_30, %mul3A_137 : i32
        %dma_wait3A_139 = arith.constant 0 : i32
        %dma_wait3A_140 = arith.constant 0 : i32
        %dma_wait3A_141 = tpu.memref_slice %arg4[%max3A_136, %dma_wait3A_139, %select_n3A, %dma_wait3A_140, %mul3A_138] : memref<50x125x8x8x128xf32, #tpu.memory_space<hbm>> -> memref<1x125x1x8x32xf32, #tpu.memory_space<hbm>>
        %dma_wait3A_142 = tpu.memref_squeeze %dma_wait3A_141 : memref<1x125x1x8x32xf32, #tpu.memory_space<hbm>> -> memref<125x8x32xf32, #tpu.memory_space<hbm>>
        %dma_wait3A_143 = arith.constant 0 : i32
        %dma_wait3A_144 = arith.constant 0 : i32
        %dma_wait3A_145 = tpu.memref_slice %arg4[%max3A_136, %dma_wait3A_143, %select_n3A, %dma_wait3A_144, %mul3A_138] : memref<50x125x8x8x128xf32, #tpu.memory_space<hbm>> -> memref<1x125x1x8x32xf32, #tpu.memory_space<hbm>>
        %dma_wait3A_146 = tpu.memref_squeeze %dma_wait3A_145 : memref<1x125x1x8x32xf32, #tpu.memory_space<hbm>> -> memref<125x8x32xf32, #tpu.memory_space<hbm>>
        tpu.wait_dma2 semaphore(%arg12 : memref<!tpu.dma_semaphore, #tpu.memory_space<semaphore_mem>>) src(%arg8 : memref<125x8x32xf32, #tpu.memory_space<vmem>>) dst(%dma_wait3A_146 : memref<125x8x32xf32, #tpu.memory_space<hbm>>)
      } else {
      }
      %parallel_loop3A = arith.constant 0 : i32
      %parallel_loop3A_88 = arith.constant 125 : i32
      %parallel_loop3A_89 = arith.constant 1 : i32
      scf.for %parallel_loop3A_134 = %parallel_loop3A to %parallel_loop3A_88 step %parallel_loop3A_89  : i32 {
        %parallel_loop3A_135 = arith.constant 0 : i32
        %parallel_loop3A_136 = vector.broadcast %parallel_loop3A_135 : i32 to vector<16xi32>
        %parallel_loop3A_137 = arith.constant 8 : i32
        %parallel_loop3A_138 = arith.muli %parallel_loop3A_134, %parallel_loop3A_137 : i32
        %parallel_loop3A_139 = arith.constant 0 : i32
        %parallel_loop3A_140 = arith.addi %parallel_loop3A_138, %parallel_loop3A_139 : i32
        %parallel_loop3A_141 = vector.broadcast %parallel_loop3A_140 : i32 to vector<16xi32>
        %parallel_loop3A_142 = arith.addi %parallel_loop3A_136, %parallel_loop3A_141 : vector<16xi32>
        %parallel_loop3A_143 = arith.constant 0 : i32
        %parallel_loop3A_144 = vector.broadcast %parallel_loop3A_143 : i32 to vector<16xi32>
        %parallel_loop3A_145 = arith.addi %iota3A, %parallel_loop3A_144 : vector<16xi32>
        %parallel_loop3A_146 = tpu.vector_load_idx %arg6[%parallel_loop3A_145, %parallel_loop3A_142] : memref<32x1000xf32, #tpu.memory_space<vmem>>[vector<16xi32>, vector<16xi32>], vector<16xf32>,
        %parallel_loop3A_147 = arith.constant 0 : i32
        %parallel_loop3A_148 = arith.index_cast %parallel_loop3A_134 : i32 to index
        %parallel_loop3A_149 = arith.index_cast %parallel_loop3A_147 : i32 to index
        %parallel_loop3A_150 = arith.constant 0 : index
        %parallel_loop3A_151 = tpu.vector_load %arg8[%parallel_loop3A_148, %parallel_loop3A_149, %parallel_loop3A_150] {strides = array<i32>} : memref<125x8x32xf32, #tpu.memory_space<vmem>>, vector<16xf32>,
        tpu.vector_store %arg8[%parallel_loop3A_148, %parallel_loop3A_149, %parallel_loop3A_150], %parallel_loop3A_146 {strides = array<i32>} : memref<125x8x32xf32, #tpu.memory_space<vmem>>, vector<16xf32>,
        %parallel_loop3A_152 = arith.constant 16 : i32
        %parallel_loop3A_153 = vector.broadcast %parallel_loop3A_152 : i32 to vector<16xi32>
        %parallel_loop3A_154 = arith.addi %iota3A, %parallel_loop3A_153 : vector<16xi32>
        %parallel_loop3A_155 = tpu.vector_load_idx %arg6[%parallel_loop3A_154, %parallel_loop3A_142] : memref<32x1000xf32, #tpu.memory_space<vmem>>[vector<16xi32>, vector<16xi32>], vector<16xf32>,
        %parallel_loop3A_156 = arith.constant 0 : i32
        %parallel_loop3A_157 = arith.index_cast %parallel_loop3A_134 : i32 to index
        %parallel_loop3A_158 = arith.index_cast %parallel_loop3A_156 : i32 to index
        %parallel_loop3A_159 = arith.constant 16 : index
        %parallel_loop3A_160 = tpu.vector_load %arg8[%parallel_loop3A_157, %parallel_loop3A_158, %parallel_loop3A_159] {strides = array<i32>} : memref<125x8x32xf32, #tpu.memory_space<vmem>>, vector<16xf32>,
        tpu.vector_store %arg8[%parallel_loop3A_157, %parallel_loop3A_158, %parallel_loop3A_159], %parallel_loop3A_155 {strides = array<i32>} : memref<125x8x32xf32, #tpu.memory_space<vmem>>, vector<16xf32>,
        %parallel_loop3A_161 = arith.constant 0 : i32
        %parallel_loop3A_162 = vector.broadcast %parallel_loop3A_161 : i32 to vector<16xi32>
        %parallel_loop3A_163 = arith.constant 8 : i32
        %parallel_loop3A_164 = arith.muli %parallel_loop3A_134, %parallel_loop3A_163 : i32
        %parallel_loop3A_165 = arith.constant 1 : i32
        %parallel_loop3A_166 = arith.addi %parallel_loop3A_164, %parallel_loop3A_165 : i32
        %parallel_loop3A_167 = vector.broadcast %parallel_loop3A_166 : i32 to vector<16xi32>
        %parallel_loop3A_168 = arith.addi %parallel_loop3A_162, %parallel_loop3A_167 : vector<16xi32>
        %parallel_loop3A_169 = arith.constant 0 : i32
        %parallel_loop3A_170 = vector.broadcast %parallel_loop3A_169 : i32 to vector<16xi32>
        %parallel_loop3A_171 = arith.addi %iota3A, %parallel_loop3A_170 : vector<16xi32>
        %parallel_loop3A_172 = tpu.vector_load_idx %arg6[%parallel_loop3A_171, %parallel_loop3A_168] : memref<32x1000xf32, #tpu.memory_space<vmem>>[vector<16xi32>, vector<16xi32>], vector<16xf32>,
        %parallel_loop3A_173 = arith.constant 1 : i32
        %parallel_loop3A_174 = arith.index_cast %parallel_loop3A_134 : i32 to index
        %parallel_loop3A_175 = arith.index_cast %parallel_loop3A_173 : i32 to index
        %parallel_loop3A_176 = arith.constant 0 : index
        %parallel_loop3A_177 = tpu.vector_load %arg8[%parallel_loop3A_174, %parallel_loop3A_175, %parallel_loop3A_176] {strides = array<i32>} : memref<125x8x32xf32, #tpu.memory_space<vmem>>, vector<16xf32>,
        tpu.vector_store %arg8[%parallel_loop3A_174, %parallel_loop3A_175, %parallel_loop3A_176], %parallel_loop3A_172 {strides = array<i32>} : memref<125x8x32xf32, #tpu.memory_space<vmem>>, vector<16xf32>,
        %parallel_loop3A_178 = arith.constant 16 : i32
        %parallel_loop3A_179 = vector.broadcast %parallel_loop3A_178 : i32 to vector<16xi32>
        %parallel_loop3A_180 = arith.addi %iota3A, %parallel_loop3A_179 : vector<16xi32>
        %parallel_loop3A_181 = tpu.vector_load_idx %arg6[%parallel_loop3A_180, %parallel_loop3A_168] : memref<32x1000xf32, #tpu.memory_space<vmem>>[vector<16xi32>, vector<16xi32>], vector<16xf32>,
        %parallel_loop3A_182 = arith.constant 1 : i32
        %parallel_loop3A_183 = arith.index_cast %parallel_loop3A_134 : i32 to index
        %parallel_loop3A_184 = arith.index_cast %parallel_loop3A_182 : i32 to index
        %parallel_loop3A_185 = arith.constant 16 : index
        %parallel_loop3A_186 = tpu.vector_load %arg8[%parallel_loop3A_183, %parallel_loop3A_184, %parallel_loop3A_185] {strides = array<i32>} : memref<125x8x32xf32, #tpu.memory_space<vmem>>, vector<16xf32>,
        tpu.vector_store %arg8[%parallel_loop3A_183, %parallel_loop3A_184, %parallel_loop3A_185], %parallel_loop3A_181 {strides = array<i32>} : memref<125x8x32xf32, #tpu.memory_space<vmem>>, vector<16xf32>,
        %parallel_loop3A_187 = arith.constant 0 : i32
        %parallel_loop3A_188 = vector.broadcast %parallel_loop3A_187 : i32 to vector<16xi32>
        %parallel_loop3A_189 = arith.constant 8 : i32
        %parallel_loop3A_190 = arith.muli %parallel_loop3A_134, %parallel_loop3A_189 : i32
        %parallel_loop3A_191 = arith.constant 2 : i32
        %parallel_loop3A_192 = arith.addi %parallel_loop3A_190, %parallel_loop3A_191 : i32
        %parallel_loop3A_193 = vector.broadcast %parallel_loop3A_192 : i32 to vector<16xi32>
        %parallel_loop3A_194 = arith.addi %parallel_loop3A_188, %parallel_loop3A_193 : vector<16xi32>
        %parallel_loop3A_195 = arith.constant 0 : i32
        %parallel_loop3A_196 = vector.broadcast %parallel_loop3A_195 : i32 to vector<16xi32>
        %parallel_loop3A_197 = arith.addi %iota3A, %parallel_loop3A_196 : vector<16xi32>
        %parallel_loop3A_198 = tpu.vector_load_idx %arg6[%parallel_loop3A_197, %parallel_loop3A_194] : memref<32x1000xf32, #tpu.memory_space<vmem>>[vector<16xi32>, vector<16xi32>], vector<16xf32>,
        %parallel_loop3A_199 = arith.constant 2 : i32
        %parallel_loop3A_200 = arith.index_cast %parallel_loop3A_134 : i32 to index
        %parallel_loop3A_201 = arith.index_cast %parallel_loop3A_199 : i32 to index
        %parallel_loop3A_202 = arith.constant 0 : index
        %parallel_loop3A_203 = tpu.vector_load %arg8[%parallel_loop3A_200, %parallel_loop3A_201, %parallel_loop3A_202] {strides = array<i32>} : memref<125x8x32xf32, #tpu.memory_space<vmem>>, vector<16xf32>,
        tpu.vector_store %arg8[%parallel_loop3A_200, %parallel_loop3A_201, %parallel_loop3A_202], %parallel_loop3A_198 {strides = array<i32>} : memref<125x8x32xf32, #tpu.memory_space<vmem>>, vector<16xf32>,
        %parallel_loop3A_204 = arith.constant 16 : i32
        %parallel_loop3A_205 = vector.broadcast %parallel_loop3A_204 : i32 to vector<16xi32>
        %parallel_loop3A_206 = arith.addi %iota3A, %parallel_loop3A_205 : vector<16xi32>
        %parallel_loop3A_207 = tpu.vector_load_idx %arg6[%parallel_loop3A_206, %parallel_loop3A_194] : memref<32x1000xf32, #tpu.memory_space<vmem>>[vector<16xi32>, vector<16xi32>], vector<16xf32>,
        %parallel_loop3A_208 = arith.constant 2 : i32
        %parallel_loop3A_209 = arith.index_cast %parallel_loop3A_134 : i32 to index
        %parallel_loop3A_210 = arith.index_cast %parallel_loop3A_208 : i32 to index
        %parallel_loop3A_211 = arith.constant 16 : index
        %parallel_loop3A_212 = tpu.vector_load %arg8[%parallel_loop3A_209, %parallel_loop3A_210, %parallel_loop3A_211] {strides = array<i32>} : memref<125x8x32xf32, #tpu.memory_space<vmem>>, vector<16xf32>,
        tpu.vector_store %arg8[%parallel_loop3A_209, %parallel_loop3A_210, %parallel_loop3A_211], %parallel_loop3A_207 {strides = array<i32>} : memref<125x8x32xf32, #tpu.memory_space<vmem>>, vector<16xf32>,
        %parallel_loop3A_213 = arith.constant 0 : i32
        %parallel_loop3A_214 = vector.broadcast %parallel_loop3A_213 : i32 to vector<16xi32>
        %parallel_loop3A_215 = arith.constant 8 : i32
        %parallel_loop3A_216 = arith.muli %parallel_loop3A_134, %parallel_loop3A_215 : i32
        %parallel_loop3A_217 = arith.constant 3 : i32
        %parallel_loop3A_218 = arith.addi %parallel_loop3A_216, %parallel_loop3A_217 : i32
        %parallel_loop3A_219 = vector.broadcast %parallel_loop3A_218 : i32 to vector<16xi32>
        %parallel_loop3A_220 = arith.addi %parallel_loop3A_214, %parallel_loop3A_219 : vector<16xi32>
        %parallel_loop3A_221 = arith.constant 0 : i32
        %parallel_loop3A_222 = vector.broadcast %parallel_loop3A_221 : i32 to vector<16xi32>
        %parallel_loop3A_223 = arith.addi %iota3A, %parallel_loop3A_222 : vector<16xi32>
        %parallel_loop3A_224 = tpu.vector_load_idx %arg6[%parallel_loop3A_223, %parallel_loop3A_220] : memref<32x1000xf32, #tpu.memory_space<vmem>>[vector<16xi32>, vector<16xi32>], vector<16xf32>,
        %parallel_loop3A_225 = arith.constant 3 : i32
        %parallel_loop3A_226 = arith.index_cast %parallel_loop3A_134 : i32 to index
        %parallel_loop3A_227 = arith.index_cast %parallel_loop3A_225 : i32 to index
        %parallel_loop3A_228 = arith.constant 0 : index
        %parallel_loop3A_229 = tpu.vector_load %arg8[%parallel_loop3A_226, %parallel_loop3A_227, %parallel_loop3A_228] {strides = array<i32>} : memref<125x8x32xf32, #tpu.memory_space<vmem>>, vector<16xf32>,
        tpu.vector_store %arg8[%parallel_loop3A_226, %parallel_loop3A_227, %parallel_loop3A_228], %parallel_loop3A_224 {strides = array<i32>} : memref<125x8x32xf32, #tpu.memory_space<vmem>>, vector<16xf32>,
        %parallel_loop3A_230 = arith.constant 16 : i32
        %parallel_loop3A_231 = vector.broadcast %parallel_loop3A_230 : i32 to vector<16xi32>
        %parallel_loop3A_232 = arith.addi %iota3A, %parallel_loop3A_231 : vector<16xi32>
        %parallel_loop3A_233 = tpu.vector_load_idx %arg6[%parallel_loop3A_232, %parallel_loop3A_220] : memref<32x1000xf32, #tpu.memory_space<vmem>>[vector<16xi32>, vector<16xi32>], vector<16xf32>,
        %parallel_loop3A_234 = arith.constant 3 : i32
        %parallel_loop3A_235 = arith.index_cast %parallel_loop3A_134 : i32 to index
        %parallel_loop3A_236 = arith.index_cast %parallel_loop3A_234 : i32 to index
        %parallel_loop3A_237 = arith.constant 16 : index
        %parallel_loop3A_238 = tpu.vector_load %arg8[%parallel_loop3A_235, %parallel_loop3A_236, %parallel_loop3A_237] {strides = array<i32>} : memref<125x8x32xf32, #tpu.memory_space<vmem>>, vector<16xf32>,
        tpu.vector_store %arg8[%parallel_loop3A_235, %parallel_loop3A_236, %parallel_loop3A_237], %parallel_loop3A_233 {strides = array<i32>} : memref<125x8x32xf32, #tpu.memory_space<vmem>>, vector<16xf32>,
        %parallel_loop3A_239 = arith.constant 0 : i32
        %parallel_loop3A_240 = vector.broadcast %parallel_loop3A_239 : i32 to vector<16xi32>
        %parallel_loop3A_241 = arith.constant 8 : i32
        %parallel_loop3A_242 = arith.muli %parallel_loop3A_134, %parallel_loop3A_241 : i32
        %parallel_loop3A_243 = arith.constant 4 : i32
        %parallel_loop3A_244 = arith.addi %parallel_loop3A_242, %parallel_loop3A_243 : i32
        %parallel_loop3A_245 = vector.broadcast %parallel_loop3A_244 : i32 to vector<16xi32>
        %parallel_loop3A_246 = arith.addi %parallel_loop3A_240, %parallel_loop3A_245 : vector<16xi32>
        %parallel_loop3A_247 = arith.constant 0 : i32
        %parallel_loop3A_248 = vector.broadcast %parallel_loop3A_247 : i32 to vector<16xi32>
        %parallel_loop3A_249 = arith.addi %iota3A, %parallel_loop3A_248 : vector<16xi32>
        %parallel_loop3A_250 = tpu.vector_load_idx %arg6[%parallel_loop3A_249, %parallel_loop3A_246] : memref<32x1000xf32, #tpu.memory_space<vmem>>[vector<16xi32>, vector<16xi32>], vector<16xf32>,
        %parallel_loop3A_251 = arith.constant 4 : i32
        %parallel_loop3A_252 = arith.index_cast %parallel_loop3A_134 : i32 to index
        %parallel_loop3A_253 = arith.index_cast %parallel_loop3A_251 : i32 to index
        %parallel_loop3A_254 = arith.constant 0 : index
        %parallel_loop3A_255 = tpu.vector_load %arg8[%parallel_loop3A_252, %parallel_loop3A_253, %parallel_loop3A_254] {strides = array<i32>} : memref<125x8x32xf32, #tpu.memory_space<vmem>>, vector<16xf32>,
        tpu.vector_store %arg8[%parallel_loop3A_252, %parallel_loop3A_253, %parallel_loop3A_254], %parallel_loop3A_250 {strides = array<i32>} : memref<125x8x32xf32, #tpu.memory_space<vmem>>, vector<16xf32>,
        %parallel_loop3A_256 = arith.constant 16 : i32
        %parallel_loop3A_257 = vector.broadcast %parallel_loop3A_256 : i32 to vector<16xi32>
        %parallel_loop3A_258 = arith.addi %iota3A, %parallel_loop3A_257 : vector<16xi32>
        %parallel_loop3A_259 = tpu.vector_load_idx %arg6[%parallel_loop3A_258, %parallel_loop3A_246] : memref<32x1000xf32, #tpu.memory_space<vmem>>[vector<16xi32>, vector<16xi32>], vector<16xf32>,
        %parallel_loop3A_260 = arith.constant 4 : i32
        %parallel_loop3A_261 = arith.index_cast %parallel_loop3A_134 : i32 to index
        %parallel_loop3A_262 = arith.index_cast %parallel_loop3A_260 : i32 to index
        %parallel_loop3A_263 = arith.constant 16 : index
        %parallel_loop3A_264 = tpu.vector_load %arg8[%parallel_loop3A_261, %parallel_loop3A_262, %parallel_loop3A_263] {strides = array<i32>} : memref<125x8x32xf32, #tpu.memory_space<vmem>>, vector<16xf32>,
        tpu.vector_store %arg8[%parallel_loop3A_261, %parallel_loop3A_262, %parallel_loop3A_263], %parallel_loop3A_259 {strides = array<i32>} : memref<125x8x32xf32, #tpu.memory_space<vmem>>, vector<16xf32>,
        %parallel_loop3A_265 = arith.constant 0 : i32
        %parallel_loop3A_266 = vector.broadcast %parallel_loop3A_265 : i32 to vector<16xi32>
        %parallel_loop3A_267 = arith.constant 8 : i32
        %parallel_loop3A_268 = arith.muli %parallel_loop3A_134, %parallel_loop3A_267 : i32
        %parallel_loop3A_269 = arith.constant 5 : i32
        %parallel_loop3A_270 = arith.addi %parallel_loop3A_268, %parallel_loop3A_269 : i32
        %parallel_loop3A_271 = vector.broadcast %parallel_loop3A_270 : i32 to vector<16xi32>
        %parallel_loop3A_272 = arith.addi %parallel_loop3A_266, %parallel_loop3A_271 : vector<16xi32>
        %parallel_loop3A_273 = arith.constant 0 : i32
        %parallel_loop3A_274 = vector.broadcast %parallel_loop3A_273 : i32 to vector<16xi32>
        %parallel_loop3A_275 = arith.addi %iota3A, %parallel_loop3A_274 : vector<16xi32>
        %parallel_loop3A_276 = tpu.vector_load_idx %arg6[%parallel_loop3A_275, %parallel_loop3A_272] : memref<32x1000xf32, #tpu.memory_space<vmem>>[vector<16xi32>, vector<16xi32>], vector<16xf32>,
        %parallel_loop3A_277 = arith.constant 5 : i32
        %parallel_loop3A_278 = arith.index_cast %parallel_loop3A_134 : i32 to index
        %parallel_loop3A_279 = arith.index_cast %parallel_loop3A_277 : i32 to index
        %parallel_loop3A_280 = arith.constant 0 : index
        %parallel_loop3A_281 = tpu.vector_load %arg8[%parallel_loop3A_278, %parallel_loop3A_279, %parallel_loop3A_280] {strides = array<i32>} : memref<125x8x32xf32, #tpu.memory_space<vmem>>, vector<16xf32>,
        tpu.vector_store %arg8[%parallel_loop3A_278, %parallel_loop3A_279, %parallel_loop3A_280], %parallel_loop3A_276 {strides = array<i32>} : memref<125x8x32xf32, #tpu.memory_space<vmem>>, vector<16xf32>,
        %parallel_loop3A_282 = arith.constant 16 : i32
        %parallel_loop3A_283 = vector.broadcast %parallel_loop3A_282 : i32 to vector<16xi32>
        %parallel_loop3A_284 = arith.addi %iota3A, %parallel_loop3A_283 : vector<16xi32>
        %parallel_loop3A_285 = tpu.vector_load_idx %arg6[%parallel_loop3A_284, %parallel_loop3A_272] : memref<32x1000xf32, #tpu.memory_space<vmem>>[vector<16xi32>, vector<16xi32>], vector<16xf32>,
        %parallel_loop3A_286 = arith.constant 5 : i32
        %parallel_loop3A_287 = arith.index_cast %parallel_loop3A_134 : i32 to index
        %parallel_loop3A_288 = arith.index_cast %parallel_loop3A_286 : i32 to index
        %parallel_loop3A_289 = arith.constant 16 : index
        %parallel_loop3A_290 = tpu.vector_load %arg8[%parallel_loop3A_287, %parallel_loop3A_288, %parallel_loop3A_289] {strides = array<i32>} : memref<125x8x32xf32, #tpu.memory_space<vmem>>, vector<16xf32>,
        tpu.vector_store %arg8[%parallel_loop3A_287, %parallel_loop3A_288, %parallel_loop3A_289], %parallel_loop3A_285 {strides = array<i32>} : memref<125x8x32xf32, #tpu.memory_space<vmem>>, vector<16xf32>,
        %parallel_loop3A_291 = arith.constant 0 : i32
        %parallel_loop3A_292 = vector.broadcast %parallel_loop3A_291 : i32 to vector<16xi32>
        %parallel_loop3A_293 = arith.constant 8 : i32
        %parallel_loop3A_294 = arith.muli %parallel_loop3A_134, %parallel_loop3A_293 : i32
        %parallel_loop3A_295 = arith.constant 6 : i32
        %parallel_loop3A_296 = arith.addi %parallel_loop3A_294, %parallel_loop3A_295 : i32
        %parallel_loop3A_297 = vector.broadcast %parallel_loop3A_296 : i32 to vector<16xi32>
        %parallel_loop3A_298 = arith.addi %parallel_loop3A_292, %parallel_loop3A_297 : vector<16xi32>
        %parallel_loop3A_299 = arith.constant 0 : i32
        %parallel_loop3A_300 = vector.broadcast %parallel_loop3A_299 : i32 to vector<16xi32>
        %parallel_loop3A_301 = arith.addi %iota3A, %parallel_loop3A_300 : vector<16xi32>
        %parallel_loop3A_302 = tpu.vector_load_idx %arg6[%parallel_loop3A_301, %parallel_loop3A_298] : memref<32x1000xf32, #tpu.memory_space<vmem>>[vector<16xi32>, vector<16xi32>], vector<16xf32>,
        %parallel_loop3A_303 = arith.constant 6 : i32
        %parallel_loop3A_304 = arith.index_cast %parallel_loop3A_134 : i32 to index
        %parallel_loop3A_305 = arith.index_cast %parallel_loop3A_303 : i32 to index
        %parallel_loop3A_306 = arith.constant 0 : index
        %parallel_loop3A_307 = tpu.vector_load %arg8[%parallel_loop3A_304, %parallel_loop3A_305, %parallel_loop3A_306] {strides = array<i32>} : memref<125x8x32xf32, #tpu.memory_space<vmem>>, vector<16xf32>,
        tpu.vector_store %arg8[%parallel_loop3A_304, %parallel_loop3A_305, %parallel_loop3A_306], %parallel_loop3A_302 {strides = array<i32>} : memref<125x8x32xf32, #tpu.memory_space<vmem>>, vector<16xf32>,
        %parallel_loop3A_308 = arith.constant 16 : i32
        %parallel_loop3A_309 = vector.broadcast %parallel_loop3A_308 : i32 to vector<16xi32>
        %parallel_loop3A_310 = arith.addi %iota3A, %parallel_loop3A_309 : vector<16xi32>
        %parallel_loop3A_311 = tpu.vector_load_idx %arg6[%parallel_loop3A_310, %parallel_loop3A_298] : memref<32x1000xf32, #tpu.memory_space<vmem>>[vector<16xi32>, vector<16xi32>], vector<16xf32>,
        %parallel_loop3A_312 = arith.constant 6 : i32
        %parallel_loop3A_313 = arith.index_cast %parallel_loop3A_134 : i32 to index
        %parallel_loop3A_314 = arith.index_cast %parallel_loop3A_312 : i32 to index
        %parallel_loop3A_315 = arith.constant 16 : index
        %parallel_loop3A_316 = tpu.vector_load %arg8[%parallel_loop3A_313, %parallel_loop3A_314, %parallel_loop3A_315] {strides = array<i32>} : memref<125x8x32xf32, #tpu.memory_space<vmem>>, vector<16xf32>,
        tpu.vector_store %arg8[%parallel_loop3A_313, %parallel_loop3A_314, %parallel_loop3A_315], %parallel_loop3A_311 {strides = array<i32>} : memref<125x8x32xf32, #tpu.memory_space<vmem>>, vector<16xf32>,
        %parallel_loop3A_317 = arith.constant 0 : i32
        %parallel_loop3A_318 = vector.broadcast %parallel_loop3A_317 : i32 to vector<16xi32>
        %parallel_loop3A_319 = arith.constant 8 : i32
        %parallel_loop3A_320 = arith.muli %parallel_loop3A_134, %parallel_loop3A_319 : i32
        %parallel_loop3A_321 = arith.constant 7 : i32
        %parallel_loop3A_322 = arith.addi %parallel_loop3A_320, %parallel_loop3A_321 : i32
        %parallel_loop3A_323 = vector.broadcast %parallel_loop3A_322 : i32 to vector<16xi32>
        %parallel_loop3A_324 = arith.addi %parallel_loop3A_318, %parallel_loop3A_323 : vector<16xi32>
        %parallel_loop3A_325 = arith.constant 0 : i32
        %parallel_loop3A_326 = vector.broadcast %parallel_loop3A_325 : i32 to vector<16xi32>
        %parallel_loop3A_327 = arith.addi %iota3A, %parallel_loop3A_326 : vector<16xi32>
        %parallel_loop3A_328 = tpu.vector_load_idx %arg6[%parallel_loop3A_327, %parallel_loop3A_324] : memref<32x1000xf32, #tpu.memory_space<vmem>>[vector<16xi32>, vector<16xi32>], vector<16xf32>,
        %parallel_loop3A_329 = arith.constant 7 : i32
        %parallel_loop3A_330 = arith.index_cast %parallel_loop3A_134 : i32 to index
        %parallel_loop3A_331 = arith.index_cast %parallel_loop3A_329 : i32 to index
        %parallel_loop3A_332 = arith.constant 0 : index
        %parallel_loop3A_333 = tpu.vector_load %arg8[%parallel_loop3A_330, %parallel_loop3A_331, %parallel_loop3A_332] {strides = array<i32>} : memref<125x8x32xf32, #tpu.memory_space<vmem>>, vector<16xf32>,
        tpu.vector_store %arg8[%parallel_loop3A_330, %parallel_loop3A_331, %parallel_loop3A_332], %parallel_loop3A_328 {strides = array<i32>} : memref<125x8x32xf32, #tpu.memory_space<vmem>>, vector<16xf32>,
        %parallel_loop3A_334 = arith.constant 16 : i32
        %parallel_loop3A_335 = vector.broadcast %parallel_loop3A_334 : i32 to vector<16xi32>
        %parallel_loop3A_336 = arith.addi %iota3A, %parallel_loop3A_335 : vector<16xi32>
        %parallel_loop3A_337 = tpu.vector_load_idx %arg6[%parallel_loop3A_336, %parallel_loop3A_324] : memref<32x1000xf32, #tpu.memory_space<vmem>>[vector<16xi32>, vector<16xi32>], vector<16xf32>,
        %parallel_loop3A_338 = arith.constant 7 : i32
        %parallel_loop3A_339 = arith.index_cast %parallel_loop3A_134 : i32 to index
        %parallel_loop3A_340 = arith.index_cast %parallel_loop3A_338 : i32 to index
        %parallel_loop3A_341 = arith.constant 16 : index
        %parallel_loop3A_342 = tpu.vector_load %arg8[%parallel_loop3A_339, %parallel_loop3A_340, %parallel_loop3A_341] {strides = array<i32>} : memref<125x8x32xf32, #tpu.memory_space<vmem>>, vector<16xf32>,
        tpu.vector_store %arg8[%parallel_loop3A_339, %parallel_loop3A_340, %parallel_loop3A_341], %parallel_loop3A_337 {strides = array<i32>} : memref<125x8x32xf32, #tpu.memory_space<vmem>>, vector<16xf32>,
      } {sc.loop_unroll_factor = 2 : i64, sc.parallel_access}
      %mul3A_90 = arith.constant 32 : i32
      %mul3A_91 = arith.muli %select_n3A_30, %mul3A_90 : i32
      %dma_start3A_92 = arith.constant 0 : i32
      %dma_start3A_93 = arith.constant 0 : i32
      %dma_start3A_94 = tpu.memref_slice %arg4[%add3A_74, %dma_start3A_92, %select_n3A, %dma_start3A_93, %mul3A_91] : memref<50x125x8x8x128xf32, #tpu.memory_space<hbm>> -> memref<1x125x1x8x32xf32, #tpu.memory_space<hbm>>
      %dma_start3A_95 = tpu.memref_squeeze %dma_start3A_94 : memref<1x125x1x8x32xf32, #tpu.memory_space<hbm>> -> memref<125x8x32xf32, #tpu.memory_space<hbm>>
      %dma_start3A_96 = arith.constant 0 : i32
      %dma_start3A_97 = arith.constant 0 : i32
      %dma_start3A_98 = tpu.memref_slice %arg4[%add3A_74, %dma_start3A_96, %select_n3A, %dma_start3A_97, %mul3A_91] : memref<50x125x8x8x128xf32, #tpu.memory_space<hbm>> -> memref<1x125x1x8x32xf32, #tpu.memory_space<hbm>>
      %dma_start3A_99 = tpu.memref_squeeze %dma_start3A_98 : memref<1x125x1x8x32xf32, #tpu.memory_space<hbm>> -> memref<125x8x32xf32, #tpu.memory_space<hbm>>
      tpu.enqueue_dma source(%arg8 : memref<125x8x32xf32, #tpu.memory_space<vmem>>) target(%dma_start3A_99 : memref<125x8x32xf32, #tpu.memory_space<hbm>>) target_semaphore(%arg12 : memref<!tpu.dma_semaphore, #tpu.memory_space<semaphore_mem>>)
      %mul3A_100 = arith.constant 2 : i32
      %mul3A_101 = arith.muli %scan3A_69, %mul3A_100 : i32
      %add3A_102 = arith.constant 1 : i32
      %add3A_103 = arith.addi %mul3A_101, %add3A_102 : i32
      %dma_wait3A_104 = arith.constant 0 : i32
      %dma_wait3A_105 = tpu.memref_slice %arg5[%add3A_103, %dma_wait3A_104] : memref<50x32xi32, #tpu.memory_space<vmem>> -> memref<1x32xi32, #tpu.memory_space<vmem>>
      %dma_wait3A_106 = tpu.memref_squeeze %dma_wait3A_105 : memref<1x32xi32, #tpu.memory_space<vmem>> -> memref<32xi32, #tpu.memory_space<vmem>>
      %dma_wait3A_107 = arith.constant 0 : i32
      %dma_wait3A_108 = arith.constant 0 : i32
      %dma_wait3A_109 = tpu.memref_slice %arg3[%dma_wait3A_107, %dma_wait3A_108] : memref<1000x1000xf32, #tpu.memory_space<hbm>> -> memref<1000x1000xf32, #tpu.memory_space<hbm>>
      tpu.wait_indirect_dma semaphore(%arg11 : memref<!tpu.dma_semaphore, #tpu.memory_space<semaphore_mem>>) src(%dma_wait3A_109 : memref<1000x1000xf32, #tpu.memory_space<hbm>>) dst(%arg7 : memref<32x1000xf32, #tpu.memory_space<vmem>>)
      %lt3A_110 = arith.constant 49 : i32
      %lt3A_111 = arith.cmpi slt, %add3A_103, %lt3A_110 : i32
      %convert_element_type3A_112 = arith.extui %lt3A_111 : i1 to i32
      %cond3A_113 = arith.constant 0 : i32
      %cond3A_114 = arith.cmpi ne, %convert_element_type3A_112, %cond3A_113 : i32
      scf.if %cond3A_114 {
        %add3A_134 = arith.constant 1 : i32
        %add3A_135 = arith.addi %add3A_103, %add3A_134 : i32
        %dma_start3A_136 = arith.constant 0 : i32
        %dma_start3A_137 = tpu.memref_slice %arg5[%add3A_135, %dma_start3A_136] : memref<50x32xi32, #tpu.memory_space<vmem>> -> memref<1x32xi32, #tpu.memory_space<vmem>>
        %dma_start3A_138 = tpu.memref_squeeze %dma_start3A_137 : memref<1x32xi32, #tpu.memory_space<vmem>> -> memref<32xi32, #tpu.memory_space<vmem>>
        %dma_start3A_139 = arith.constant 0 : i32
        %dma_start3A_140 = arith.constant 0 : i32
        %dma_start3A_141 = tpu.memref_slice %arg3[%dma_start3A_139, %dma_start3A_140] : memref<1000x1000xf32, #tpu.memory_space<hbm>> -> memref<1000x1000xf32, #tpu.memory_space<hbm>>
        tpu.enqueue_indirect_dma source(%dma_start3A_141 : memref<1000x1000xf32, #tpu.memory_space<hbm>>) target(%arg6 : memref<32x1000xf32, #tpu.memory_space<vmem>>) offsets(%dma_start3A_138 : memref<32xi32, #tpu.memory_space<vmem>>) semaphore(%arg10 : memref<!tpu.dma_semaphore, #tpu.memory_space<semaphore_mem>>)
      } else {
      }
      %gt3A_115 = arith.constant 0 : i32
      %gt3A_116 = arith.cmpi sgt, %scan3A_69, %gt3A_115 : i32
      %convert_element_type3A_117 = arith.extui %gt3A_116 : i1 to i32
      %cond3A_118 = arith.constant 0 : i32
      %cond3A_119 = arith.cmpi ne, %convert_element_type3A_117, %cond3A_118 : i32
      scf.if %cond3A_119 {
        %sub3A_134 = arith.constant 2 : i32
        %sub3A_135 = arith.subi %add3A_103, %sub3A_134 : i32
        %max3A = arith.constant 0 : i32
        %max3A_136 = arith.maxsi %sub3A_135, %max3A : i32
        %mul3A_137 = arith.constant 32 : i32
        %mul3A_138 = arith.muli %select_n3A_30, %mul3A_137 : i32
        %dma_wait3A_139 = arith.constant 0 : i32
        %dma_wait3A_140 = arith.constant 0 : i32
        %dma_wait3A_141 = tpu.memref_slice %arg4[%max3A_136, %dma_wait3A_139, %select_n3A, %dma_wait3A_140, %mul3A_138] : memref<50x125x8x8x128xf32, #tpu.memory_space<hbm>> -> memref<1x125x1x8x32xf32, #tpu.memory_space<hbm>>
        %dma_wait3A_142 = tpu.memref_squeeze %dma_wait3A_141 : memref<1x125x1x8x32xf32, #tpu.memory_space<hbm>> -> memref<125x8x32xf32, #tpu.memory_space<hbm>>
        %dma_wait3A_143 = arith.constant 0 : i32
        %dma_wait3A_144 = arith.constant 0 : i32
        %dma_wait3A_145 = tpu.memref_slice %arg4[%max3A_136, %dma_wait3A_143, %select_n3A, %dma_wait3A_144, %mul3A_138] : memref<50x125x8x8x128xf32, #tpu.memory_space<hbm>> -> memref<1x125x1x8x32xf32, #tpu.memory_space<hbm>>
        %dma_wait3A_146 = tpu.memref_squeeze %dma_wait3A_145 : memref<1x125x1x8x32xf32, #tpu.memory_space<hbm>> -> memref<125x8x32xf32, #tpu.memory_space<hbm>>
        tpu.wait_dma2 semaphore(%arg13 : memref<!tpu.dma_semaphore, #tpu.memory_space<semaphore_mem>>) src(%arg9 : memref<125x8x32xf32, #tpu.memory_space<vmem>>) dst(%dma_wait3A_146 : memref<125x8x32xf32, #tpu.memory_space<hbm>>)
      } else {
      }
      %parallel_loop3A_120 = arith.constant 0 : i32
      %parallel_loop3A_121 = arith.constant 125 : i32
      %parallel_loop3A_122 = arith.constant 1 : i32
      scf.for %parallel_loop3A_134 = %parallel_loop3A_120 to %parallel_loop3A_121 step %parallel_loop3A_122  : i32 {
        %parallel_loop3A_135 = arith.constant 0 : i32
        %parallel_loop3A_136 = vector.broadcast %parallel_loop3A_135 : i32 to vector<16xi32>
        %parallel_loop3A_137 = arith.constant 8 : i32
        %parallel_loop3A_138 = arith.muli %parallel_loop3A_134, %parallel_loop3A_137 : i32
        %parallel_loop3A_139 = arith.constant 0 : i32
        %parallel_loop3A_140 = arith.addi %parallel_loop3A_138, %parallel_loop3A_139 : i32
        %parallel_loop3A_141 = vector.broadcast %parallel_loop3A_140 : i32 to vector<16xi32>
        %parallel_loop3A_142 = arith.addi %parallel_loop3A_136, %parallel_loop3A_141 : vector<16xi32>
        %parallel_loop3A_143 = arith.constant 0 : i32
        %parallel_loop3A_144 = vector.broadcast %parallel_loop3A_143 : i32 to vector<16xi32>
        %parallel_loop3A_145 = arith.addi %iota3A, %parallel_loop3A_144 : vector<16xi32>
        %parallel_loop3A_146 = tpu.vector_load_idx %arg7[%parallel_loop3A_145, %parallel_loop3A_142] : memref<32x1000xf32, #tpu.memory_space<vmem>>[vector<16xi32>, vector<16xi32>], vector<16xf32>,
        %parallel_loop3A_147 = arith.constant 0 : i32
        %parallel_loop3A_148 = arith.index_cast %parallel_loop3A_134 : i32 to index
        %parallel_loop3A_149 = arith.index_cast %parallel_loop3A_147 : i32 to index
        %parallel_loop3A_150 = arith.constant 0 : index
        %parallel_loop3A_151 = tpu.vector_load %arg9[%parallel_loop3A_148, %parallel_loop3A_149, %parallel_loop3A_150] {strides = array<i32>} : memref<125x8x32xf32, #tpu.memory_space<vmem>>, vector<16xf32>,
        tpu.vector_store %arg9[%parallel_loop3A_148, %parallel_loop3A_149, %parallel_loop3A_150], %parallel_loop3A_146 {strides = array<i32>} : memref<125x8x32xf32, #tpu.memory_space<vmem>>, vector<16xf32>,
        %parallel_loop3A_152 = arith.constant 16 : i32
        %parallel_loop3A_153 = vector.broadcast %parallel_loop3A_152 : i32 to vector<16xi32>
        %parallel_loop3A_154 = arith.addi %iota3A, %parallel_loop3A_153 : vector<16xi32>
        %parallel_loop3A_155 = tpu.vector_load_idx %arg7[%parallel_loop3A_154, %parallel_loop3A_142] : memref<32x1000xf32, #tpu.memory_space<vmem>>[vector<16xi32>, vector<16xi32>], vector<16xf32>,
        %parallel_loop3A_156 = arith.constant 0 : i32
        %parallel_loop3A_157 = arith.index_cast %parallel_loop3A_134 : i32 to index
        %parallel_loop3A_158 = arith.index_cast %parallel_loop3A_156 : i32 to index
        %parallel_loop3A_159 = arith.constant 16 : index
        %parallel_loop3A_160 = tpu.vector_load %arg9[%parallel_loop3A_157, %parallel_loop3A_158, %parallel_loop3A_159] {strides = array<i32>} : memref<125x8x32xf32, #tpu.memory_space<vmem>>, vector<16xf32>,
        tpu.vector_store %arg9[%parallel_loop3A_157, %parallel_loop3A_158, %parallel_loop3A_159], %parallel_loop3A_155 {strides = array<i32>} : memref<125x8x32xf32, #tpu.memory_space<vmem>>, vector<16xf32>,
        %parallel_loop3A_161 = arith.constant 0 : i32
        %parallel_loop3A_162 = vector.broadcast %parallel_loop3A_161 : i32 to vector<16xi32>
        %parallel_loop3A_163 = arith.constant 8 : i32
        %parallel_loop3A_164 = arith.muli %parallel_loop3A_134, %parallel_loop3A_163 : i32
        %parallel_loop3A_165 = arith.constant 1 : i32
        %parallel_loop3A_166 = arith.addi %parallel_loop3A_164, %parallel_loop3A_165 : i32
        %parallel_loop3A_167 = vector.broadcast %parallel_loop3A_166 : i32 to vector<16xi32>
        %parallel_loop3A_168 = arith.addi %parallel_loop3A_162, %parallel_loop3A_167 : vector<16xi32>
        %parallel_loop3A_169 = arith.constant 0 : i32
        %parallel_loop3A_170 = vector.broadcast %parallel_loop3A_169 : i32 to vector<16xi32>
        %parallel_loop3A_171 = arith.addi %iota3A, %parallel_loop3A_170 : vector<16xi32>
        %parallel_loop3A_172 = tpu.vector_load_idx %arg7[%parallel_loop3A_171, %parallel_loop3A_168] : memref<32x1000xf32, #tpu.memory_space<vmem>>[vector<16xi32>, vector<16xi32>], vector<16xf32>,
        %parallel_loop3A_173 = arith.constant 1 : i32
        %parallel_loop3A_174 = arith.index_cast %parallel_loop3A_134 : i32 to index
        %parallel_loop3A_175 = arith.index_cast %parallel_loop3A_173 : i32 to index
        %parallel_loop3A_176 = arith.constant 0 : index
        %parallel_loop3A_177 = tpu.vector_load %arg9[%parallel_loop3A_174, %parallel_loop3A_175, %parallel_loop3A_176] {strides = array<i32>} : memref<125x8x32xf32, #tpu.memory_space<vmem>>, vector<16xf32>,
        tpu.vector_store %arg9[%parallel_loop3A_174, %parallel_loop3A_175, %parallel_loop3A_176], %parallel_loop3A_172 {strides = array<i32>} : memref<125x8x32xf32, #tpu.memory_space<vmem>>, vector<16xf32>,
        %parallel_loop3A_178 = arith.constant 16 : i32
        %parallel_loop3A_179 = vector.broadcast %parallel_loop3A_178 : i32 to vector<16xi32>
        %parallel_loop3A_180 = arith.addi %iota3A, %parallel_loop3A_179 : vector<16xi32>
        %parallel_loop3A_181 = tpu.vector_load_idx %arg7[%parallel_loop3A_180, %parallel_loop3A_168] : memref<32x1000xf32, #tpu.memory_space<vmem>>[vector<16xi32>, vector<16xi32>], vector<16xf32>,
        %parallel_loop3A_182 = arith.constant 1 : i32
        %parallel_loop3A_183 = arith.index_cast %parallel_loop3A_134 : i32 to index
        %parallel_loop3A_184 = arith.index_cast %parallel_loop3A_182 : i32 to index
        %parallel_loop3A_185 = arith.constant 16 : index
        %parallel_loop3A_186 = tpu.vector_load %arg9[%parallel_loop3A_183, %parallel_loop3A_184, %parallel_loop3A_185] {strides = array<i32>} : memref<125x8x32xf32, #tpu.memory_space<vmem>>, vector<16xf32>,
        tpu.vector_store %arg9[%parallel_loop3A_183, %parallel_loop3A_184, %parallel_loop3A_185], %parallel_loop3A_181 {strides = array<i32>} : memref<125x8x32xf32, #tpu.memory_space<vmem>>, vector<16xf32>,
        %parallel_loop3A_187 = arith.constant 0 : i32
        %parallel_loop3A_188 = vector.broadcast %parallel_loop3A_187 : i32 to vector<16xi32>
        %parallel_loop3A_189 = arith.constant 8 : i32
        %parallel_loop3A_190 = arith.muli %parallel_loop3A_134, %parallel_loop3A_189 : i32
        %parallel_loop3A_191 = arith.constant 2 : i32
        %parallel_loop3A_192 = arith.addi %parallel_loop3A_190, %parallel_loop3A_191 : i32
        %parallel_loop3A_193 = vector.broadcast %parallel_loop3A_192 : i32 to vector<16xi32>
        %parallel_loop3A_194 = arith.addi %parallel_loop3A_188, %parallel_loop3A_193 : vector<16xi32>
        %parallel_loop3A_195 = arith.constant 0 : i32
        %parallel_loop3A_196 = vector.broadcast %parallel_loop3A_195 : i32 to vector<16xi32>
        %parallel_loop3A_197 = arith.addi %iota3A, %parallel_loop3A_196 : vector<16xi32>
        %parallel_loop3A_198 = tpu.vector_load_idx %arg7[%parallel_loop3A_197, %parallel_loop3A_194] : memref<32x1000xf32, #tpu.memory_space<vmem>>[vector<16xi32>, vector<16xi32>], vector<16xf32>,
        %parallel_loop3A_199 = arith.constant 2 : i32
        %parallel_loop3A_200 = arith.index_cast %parallel_loop3A_134 : i32 to index
        %parallel_loop3A_201 = arith.index_cast %parallel_loop3A_199 : i32 to index
        %parallel_loop3A_202 = arith.constant 0 : index
        %parallel_loop3A_203 = tpu.vector_load %arg9[%parallel_loop3A_200, %parallel_loop3A_201, %parallel_loop3A_202] {strides = array<i32>} : memref<125x8x32xf32, #tpu.memory_space<vmem>>, vector<16xf32>,
        tpu.vector_store %arg9[%parallel_loop3A_200, %parallel_loop3A_201, %parallel_loop3A_202], %parallel_loop3A_198 {strides = array<i32>} : memref<125x8x32xf32, #tpu.memory_space<vmem>>, vector<16xf32>,
        %parallel_loop3A_204 = arith.constant 16 : i32
        %parallel_loop3A_205 = vector.broadcast %parallel_loop3A_204 : i32 to vector<16xi32>
        %parallel_loop3A_206 = arith.addi %iota3A, %parallel_loop3A_205 : vector<16xi32>
        %parallel_loop3A_207 = tpu.vector_load_idx %arg7[%parallel_loop3A_206, %parallel_loop3A_194] : memref<32x1000xf32, #tpu.memory_space<vmem>>[vector<16xi32>, vector<16xi32>], vector<16xf32>,
        %parallel_loop3A_208 = arith.constant 2 : i32
        %parallel_loop3A_209 = arith.index_cast %parallel_loop3A_134 : i32 to index
        %parallel_loop3A_210 = arith.index_cast %parallel_loop3A_208 : i32 to index
        %parallel_loop3A_211 = arith.constant 16 : index
        %parallel_loop3A_212 = tpu.vector_load %arg9[%parallel_loop3A_209, %parallel_loop3A_210, %parallel_loop3A_211] {strides = array<i32>} : memref<125x8x32xf32, #tpu.memory_space<vmem>>, vector<16xf32>,
        tpu.vector_store %arg9[%parallel_loop3A_209, %parallel_loop3A_210, %parallel_loop3A_211], %parallel_loop3A_207 {strides = array<i32>} : memref<125x8x32xf32, #tpu.memory_space<vmem>>, vector<16xf32>,
        %parallel_loop3A_213 = arith.constant 0 : i32
        %parallel_loop3A_214 = vector.broadcast %parallel_loop3A_213 : i32 to vector<16xi32>
        %parallel_loop3A_215 = arith.constant 8 : i32
        %parallel_loop3A_216 = arith.muli %parallel_loop3A_134, %parallel_loop3A_215 : i32
        %parallel_loop3A_217 = arith.constant 3 : i32
        %parallel_loop3A_218 = arith.addi %parallel_loop3A_216, %parallel_loop3A_217 : i32
        %parallel_loop3A_219 = vector.broadcast %parallel_loop3A_218 : i32 to vector<16xi32>
        %parallel_loop3A_220 = arith.addi %parallel_loop3A_214, %parallel_loop3A_219 : vector<16xi32>
        %parallel_loop3A_221 = arith.constant 0 : i32
        %parallel_loop3A_222 = vector.broadcast %parallel_loop3A_221 : i32 to vector<16xi32>
        %parallel_loop3A_223 = arith.addi %iota3A, %parallel_loop3A_222 : vector<16xi32>
        %parallel_loop3A_224 = tpu.vector_load_idx %arg7[%parallel_loop3A_223, %parallel_loop3A_220] : memref<32x1000xf32, #tpu.memory_space<vmem>>[vector<16xi32>, vector<16xi32>], vector<16xf32>,
        %parallel_loop3A_225 = arith.constant 3 : i32
        %parallel_loop3A_226 = arith.index_cast %parallel_loop3A_134 : i32 to index
        %parallel_loop3A_227 = arith.index_cast %parallel_loop3A_225 : i32 to index
        %parallel_loop3A_228 = arith.constant 0 : index
        %parallel_loop3A_229 = tpu.vector_load %arg9[%parallel_loop3A_226, %parallel_loop3A_227, %parallel_loop3A_228] {strides = array<i32>} : memref<125x8x32xf32, #tpu.memory_space<vmem>>, vector<16xf32>,
        tpu.vector_store %arg9[%parallel_loop3A_226, %parallel_loop3A_227, %parallel_loop3A_228], %parallel_loop3A_224 {strides = array<i32>} : memref<125x8x32xf32, #tpu.memory_space<vmem>>, vector<16xf32>,
        %parallel_loop3A_230 = arith.constant 16 : i32
        %parallel_loop3A_231 = vector.broadcast %parallel_loop3A_230 : i32 to vector<16xi32>
        %parallel_loop3A_232 = arith.addi %iota3A, %parallel_loop3A_231 : vector<16xi32>
        %parallel_loop3A_233 = tpu.vector_load_idx %arg7[%parallel_loop3A_232, %parallel_loop3A_220] : memref<32x1000xf32, #tpu.memory_space<vmem>>[vector<16xi32>, vector<16xi32>], vector<16xf32>,
        %parallel_loop3A_234 = arith.constant 3 : i32
        %parallel_loop3A_235 = arith.index_cast %parallel_loop3A_134 : i32 to index
        %parallel_loop3A_236 = arith.index_cast %parallel_loop3A_234 : i32 to index
        %parallel_loop3A_237 = arith.constant 16 : index
        %parallel_loop3A_238 = tpu.vector_load %arg9[%parallel_loop3A_235, %parallel_loop3A_236, %parallel_loop3A_237] {strides = array<i32>} : memref<125x8x32xf32, #tpu.memory_space<vmem>>, vector<16xf32>,
        tpu.vector_store %arg9[%parallel_loop3A_235, %parallel_loop3A_236, %parallel_loop3A_237], %parallel_loop3A_233 {strides = array<i32>} : memref<125x8x32xf32, #tpu.memory_space<vmem>>, vector<16xf32>,
        %parallel_loop3A_239 = arith.constant 0 : i32
        %parallel_loop3A_240 = vector.broadcast %parallel_loop3A_239 : i32 to vector<16xi32>
        %parallel_loop3A_241 = arith.constant 8 : i32
        %parallel_loop3A_242 = arith.muli %parallel_loop3A_134, %parallel_loop3A_241 : i32
        %parallel_loop3A_243 = arith.constant 4 : i32
        %parallel_loop3A_244 = arith.addi %parallel_loop3A_242, %parallel_loop3A_243 : i32
        %parallel_loop3A_245 = vector.broadcast %parallel_loop3A_244 : i32 to vector<16xi32>
        %parallel_loop3A_246 = arith.addi %parallel_loop3A_240, %parallel_loop3A_245 : vector<16xi32>
        %parallel_loop3A_247 = arith.constant 0 : i32
        %parallel_loop3A_248 = vector.broadcast %parallel_loop3A_247 : i32 to vector<16xi32>
        %parallel_loop3A_249 = arith.addi %iota3A, %parallel_loop3A_248 : vector<16xi32>
        %parallel_loop3A_250 = tpu.vector_load_idx %arg7[%parallel_loop3A_249, %parallel_loop3A_246] : memref<32x1000xf32, #tpu.memory_space<vmem>>[vector<16xi32>, vector<16xi32>], vector<16xf32>,
        %parallel_loop3A_251 = arith.constant 4 : i32
        %parallel_loop3A_252 = arith.index_cast %parallel_loop3A_134 : i32 to index
        %parallel_loop3A_253 = arith.index_cast %parallel_loop3A_251 : i32 to index
        %parallel_loop3A_254 = arith.constant 0 : index
        %parallel_loop3A_255 = tpu.vector_load %arg9[%parallel_loop3A_252, %parallel_loop3A_253, %parallel_loop3A_254] {strides = array<i32>} : memref<125x8x32xf32, #tpu.memory_space<vmem>>, vector<16xf32>,
        tpu.vector_store %arg9[%parallel_loop3A_252, %parallel_loop3A_253, %parallel_loop3A_254], %parallel_loop3A_250 {strides = array<i32>} : memref<125x8x32xf32, #tpu.memory_space<vmem>>, vector<16xf32>,
        %parallel_loop3A_256 = arith.constant 16 : i32
        %parallel_loop3A_257 = vector.broadcast %parallel_loop3A_256 : i32 to vector<16xi32>
        %parallel_loop3A_258 = arith.addi %iota3A, %parallel_loop3A_257 : vector<16xi32>
        %parallel_loop3A_259 = tpu.vector_load_idx %arg7[%parallel_loop3A_258, %parallel_loop3A_246] : memref<32x1000xf32, #tpu.memory_space<vmem>>[vector<16xi32>, vector<16xi32>], vector<16xf32>,
        %parallel_loop3A_260 = arith.constant 4 : i32
        %parallel_loop3A_261 = arith.index_cast %parallel_loop3A_134 : i32 to index
        %parallel_loop3A_262 = arith.index_cast %parallel_loop3A_260 : i32 to index
        %parallel_loop3A_263 = arith.constant 16 : index
        %parallel_loop3A_264 = tpu.vector_load %arg9[%parallel_loop3A_261, %parallel_loop3A_262, %parallel_loop3A_263] {strides = array<i32>} : memref<125x8x32xf32, #tpu.memory_space<vmem>>, vector<16xf32>,
        tpu.vector_store %arg9[%parallel_loop3A_261, %parallel_loop3A_262, %parallel_loop3A_263], %parallel_loop3A_259 {strides = array<i32>} : memref<125x8x32xf32, #tpu.memory_space<vmem>>, vector<16xf32>,
        %parallel_loop3A_265 = arith.constant 0 : i32
        %parallel_loop3A_266 = vector.broadcast %parallel_loop3A_265 : i32 to vector<16xi32>
        %parallel_loop3A_267 = arith.constant 8 : i32
        %parallel_loop3A_268 = arith.muli %parallel_loop3A_134, %parallel_loop3A_267 : i32
        %parallel_loop3A_269 = arith.constant 5 : i32
        %parallel_loop3A_270 = arith.addi %parallel_loop3A_268, %parallel_loop3A_269 : i32
        %parallel_loop3A_271 = vector.broadcast %parallel_loop3A_270 : i32 to vector<16xi32>
        %parallel_loop3A_272 = arith.addi %parallel_loop3A_266, %parallel_loop3A_271 : vector<16xi32>
        %parallel_loop3A_273 = arith.constant 0 : i32
        %parallel_loop3A_274 = vector.broadcast %parallel_loop3A_273 : i32 to vector<16xi32>
        %parallel_loop3A_275 = arith.addi %iota3A, %parallel_loop3A_274 : vector<16xi32>
        %parallel_loop3A_276 = tpu.vector_load_idx %arg7[%parallel_loop3A_275, %parallel_loop3A_272] : memref<32x1000xf32, #tpu.memory_space<vmem>>[vector<16xi32>, vector<16xi32>], vector<16xf32>,
        %parallel_loop3A_277 = arith.constant 5 : i32
        %parallel_loop3A_278 = arith.index_cast %parallel_loop3A_134 : i32 to index
        %parallel_loop3A_279 = arith.index_cast %parallel_loop3A_277 : i32 to index
        %parallel_loop3A_280 = arith.constant 0 : index
        %parallel_loop3A_281 = tpu.vector_load %arg9[%parallel_loop3A_278, %parallel_loop3A_279, %parallel_loop3A_280] {strides = array<i32>} : memref<125x8x32xf32, #tpu.memory_space<vmem>>, vector<16xf32>,
        tpu.vector_store %arg9[%parallel_loop3A_278, %parallel_loop3A_279, %parallel_loop3A_280], %parallel_loop3A_276 {strides = array<i32>} : memref<125x8x32xf32, #tpu.memory_space<vmem>>, vector<16xf32>,
        %parallel_loop3A_282 = arith.constant 16 : i32
        %parallel_loop3A_283 = vector.broadcast %parallel_loop3A_282 : i32 to vector<16xi32>
        %parallel_loop3A_284 = arith.addi %iota3A, %parallel_loop3A_283 : vector<16xi32>
        %parallel_loop3A_285 = tpu.vector_load_idx %arg7[%parallel_loop3A_284, %parallel_loop3A_272] : memref<32x1000xf32, #tpu.memory_space<vmem>>[vector<16xi32>, vector<16xi32>], vector<16xf32>,
        %parallel_loop3A_286 = arith.constant 5 : i32
        %parallel_loop3A_287 = arith.index_cast %parallel_loop3A_134 : i32 to index
        %parallel_loop3A_288 = arith.index_cast %parallel_loop3A_286 : i32 to index
        %parallel_loop3A_289 = arith.constant 16 : index
        %parallel_loop3A_290 = tpu.vector_load %arg9[%parallel_loop3A_287, %parallel_loop3A_288, %parallel_loop3A_289] {strides = array<i32>} : memref<125x8x32xf32, #tpu.memory_space<vmem>>, vector<16xf32>,
        tpu.vector_store %arg9[%parallel_loop3A_287, %parallel_loop3A_288, %parallel_loop3A_289], %parallel_loop3A_285 {strides = array<i32>} : memref<125x8x32xf32, #tpu.memory_space<vmem>>, vector<16xf32>,
        %parallel_loop3A_291 = arith.constant 0 : i32
        %parallel_loop3A_292 = vector.broadcast %parallel_loop3A_291 : i32 to vector<16xi32>
        %parallel_loop3A_293 = arith.constant 8 : i32
        %parallel_loop3A_294 = arith.muli %parallel_loop3A_134, %parallel_loop3A_293 : i32
        %parallel_loop3A_295 = arith.constant 6 : i32
        %parallel_loop3A_296 = arith.addi %parallel_loop3A_294, %parallel_loop3A_295 : i32
        %parallel_loop3A_297 = vector.broadcast %parallel_loop3A_296 : i32 to vector<16xi32>
        %parallel_loop3A_298 = arith.addi %parallel_loop3A_292, %parallel_loop3A_297 : vector<16xi32>
        %parallel_loop3A_299 = arith.constant 0 : i32
        %parallel_loop3A_300 = vector.broadcast %parallel_loop3A_299 : i32 to vector<16xi32>
        %parallel_loop3A_301 = arith.addi %iota3A, %parallel_loop3A_300 : vector<16xi32>
        %parallel_loop3A_302 = tpu.vector_load_idx %arg7[%parallel_loop3A_301, %parallel_loop3A_298] : memref<32x1000xf32, #tpu.memory_space<vmem>>[vector<16xi32>, vector<16xi32>], vector<16xf32>,
        %parallel_loop3A_303 = arith.constant 6 : i32
        %parallel_loop3A_304 = arith.index_cast %parallel_loop3A_134 : i32 to index
        %parallel_loop3A_305 = arith.index_cast %parallel_loop3A_303 : i32 to index
        %parallel_loop3A_306 = arith.constant 0 : index
        %parallel_loop3A_307 = tpu.vector_load %arg9[%parallel_loop3A_304, %parallel_loop3A_305, %parallel_loop3A_306] {strides = array<i32>} : memref<125x8x32xf32, #tpu.memory_space<vmem>>, vector<16xf32>,
        tpu.vector_store %arg9[%parallel_loop3A_304, %parallel_loop3A_305, %parallel_loop3A_306], %parallel_loop3A_302 {strides = array<i32>} : memref<125x8x32xf32, #tpu.memory_space<vmem>>, vector<16xf32>,
        %parallel_loop3A_308 = arith.constant 16 : i32
        %parallel_loop3A_309 = vector.broadcast %parallel_loop3A_308 : i32 to vector<16xi32>
        %parallel_loop3A_310 = arith.addi %iota3A, %parallel_loop3A_309 : vector<16xi32>
        %parallel_loop3A_311 = tpu.vector_load_idx %arg7[%parallel_loop3A_310, %parallel_loop3A_298] : memref<32x1000xf32, #tpu.memory_space<vmem>>[vector<16xi32>, vector<16xi32>], vector<16xf32>,
        %parallel_loop3A_312 = arith.constant 6 : i32
        %parallel_loop3A_313 = arith.index_cast %parallel_loop3A_134 : i32 to index
        %parallel_loop3A_314 = arith.index_cast %parallel_loop3A_312 : i32 to index
        %parallel_loop3A_315 = arith.constant 16 : index
        %parallel_loop3A_316 = tpu.vector_load %arg9[%parallel_loop3A_313, %parallel_loop3A_314, %parallel_loop3A_315] {strides = array<i32>} : memref<125x8x32xf32, #tpu.memory_space<vmem>>, vector<16xf32>,
        tpu.vector_store %arg9[%parallel_loop3A_313, %parallel_loop3A_314, %parallel_loop3A_315], %parallel_loop3A_311 {strides = array<i32>} : memref<125x8x32xf32, #tpu.memory_space<vmem>>, vector<16xf32>,
        %parallel_loop3A_317 = arith.constant 0 : i32
        %parallel_loop3A_318 = vector.broadcast %parallel_loop3A_317 : i32 to vector<16xi32>
        %parallel_loop3A_319 = arith.constant 8 : i32
        %parallel_loop3A_320 = arith.muli %parallel_loop3A_134, %parallel_loop3A_319 : i32
        %parallel_loop3A_321 = arith.constant 7 : i32
        %parallel_loop3A_322 = arith.addi %parallel_loop3A_320, %parallel_loop3A_321 : i32
        %parallel_loop3A_323 = vector.broadcast %parallel_loop3A_322 : i32 to vector<16xi32>
        %parallel_loop3A_324 = arith.addi %parallel_loop3A_318, %parallel_loop3A_323 : vector<16xi32>
        %parallel_loop3A_325 = arith.constant 0 : i32
        %parallel_loop3A_326 = vector.broadcast %parallel_loop3A_325 : i32 to vector<16xi32>
        %parallel_loop3A_327 = arith.addi %iota3A, %parallel_loop3A_326 : vector<16xi32>
        %parallel_loop3A_328 = tpu.vector_load_idx %arg7[%parallel_loop3A_327, %parallel_loop3A_324] : memref<32x1000xf32, #tpu.memory_space<vmem>>[vector<16xi32>, vector<16xi32>], vector<16xf32>,
        %parallel_loop3A_329 = arith.constant 7 : i32
        %parallel_loop3A_330 = arith.index_cast %parallel_loop3A_134 : i32 to index
        %parallel_loop3A_331 = arith.index_cast %parallel_loop3A_329 : i32 to index
        %parallel_loop3A_332 = arith.constant 0 : index
        %parallel_loop3A_333 = tpu.vector_load %arg9[%parallel_loop3A_330, %parallel_loop3A_331, %parallel_loop3A_332] {strides = array<i32>} : memref<125x8x32xf32, #tpu.memory_space<vmem>>, vector<16xf32>,
        tpu.vector_store %arg9[%parallel_loop3A_330, %parallel_loop3A_331, %parallel_loop3A_332], %parallel_loop3A_328 {strides = array<i32>} : memref<125x8x32xf32, #tpu.memory_space<vmem>>, vector<16xf32>,
        %parallel_loop3A_334 = arith.constant 16 : i32
        %parallel_loop3A_335 = vector.broadcast %parallel_loop3A_334 : i32 to vector<16xi32>
        %parallel_loop3A_336 = arith.addi %iota3A, %parallel_loop3A_335 : vector<16xi32>
        %parallel_loop3A_337 = tpu.vector_load_idx %arg7[%parallel_loop3A_336, %parallel_loop3A_324] : memref<32x1000xf32, #tpu.memory_space<vmem>>[vector<16xi32>, vector<16xi32>], vector<16xf32>,
        %parallel_loop3A_338 = arith.constant 7 : i32
        %parallel_loop3A_339 = arith.index_cast %parallel_loop3A_134 : i32 to index
        %parallel_loop3A_340 = arith.index_cast %parallel_loop3A_338 : i32 to index
        %parallel_loop3A_341 = arith.constant 16 : index
        %parallel_loop3A_342 = tpu.vector_load %arg9[%parallel_loop3A_339, %parallel_loop3A_340, %parallel_loop3A_341] {strides = array<i32>} : memref<125x8x32xf32, #tpu.memory_space<vmem>>, vector<16xf32>,
        tpu.vector_store %arg9[%parallel_loop3A_339, %parallel_loop3A_340, %parallel_loop3A_341], %parallel_loop3A_337 {strides = array<i32>} : memref<125x8x32xf32, #tpu.memory_space<vmem>>, vector<16xf32>,
      } {sc.loop_unroll_factor = 2 : i64, sc.parallel_access}
      %mul3A_123 = arith.constant 32 : i32
      %mul3A_124 = arith.muli %select_n3A_30, %mul3A_123 : i32
      %dma_start3A_125 = arith.constant 0 : i32
      %dma_start3A_126 = arith.constant 0 : i32
      %dma_start3A_127 = tpu.memref_slice %arg4[%add3A_103, %dma_start3A_125, %select_n3A, %dma_start3A_126, %mul3A_124] : memref<50x125x8x8x128xf32, #tpu.memory_space<hbm>> -> memref<1x125x1x8x32xf32, #tpu.memory_space<hbm>>
      %dma_start3A_128 = tpu.memref_squeeze %dma_start3A_127 : memref<1x125x1x8x32xf32, #tpu.memory_space<hbm>> -> memref<125x8x32xf32, #tpu.memory_space<hbm>>
      %dma_start3A_129 = arith.constant 0 : i32
      %dma_start3A_130 = arith.constant 0 : i32
      %dma_start3A_131 = tpu.memref_slice %arg4[%add3A_103, %dma_start3A_129, %select_n3A, %dma_start3A_130, %mul3A_124] : memref<50x125x8x8x128xf32, #tpu.memory_space<hbm>> -> memref<1x125x1x8x32xf32, #tpu.memory_space<hbm>>
      %dma_start3A_132 = tpu.memref_squeeze %dma_start3A_131 : memref<1x125x1x8x32xf32, #tpu.memory_space<hbm>> -> memref<125x8x32xf32, #tpu.memory_space<hbm>>
      tpu.enqueue_dma source(%arg9 : memref<125x8x32xf32, #tpu.memory_space<vmem>>) target(%dma_start3A_132 : memref<125x8x32xf32, #tpu.memory_space<hbm>>) target_semaphore(%arg13 : memref<!tpu.dma_semaphore, #tpu.memory_space<semaphore_mem>>)
      %scan3A_133 = arith.constant 0 : i32
      scf.yield %scan3A_133 : i32
    }
    %scan3A_47 = arith.constant 25 : i32
    %mul3A_48 = arith.constant 32 : i32
    %mul3A_49 = arith.muli %select_n3A_30, %mul3A_48 : i32
    %dma_wait3A = arith.constant 48 : i32
    %dma_wait3A_50 = arith.constant 0 : i32
    %dma_wait3A_51 = arith.constant 0 : i32
    %dma_wait3A_52 = tpu.memref_slice %arg4[%dma_wait3A, %dma_wait3A_50, %select_n3A, %dma_wait3A_51, %mul3A_49] : memref<50x125x8x8x128xf32, #tpu.memory_space<hbm>> -> memref<1x125x1x8x32xf32, #tpu.memory_space<hbm>>
    %dma_wait3A_53 = tpu.memref_squeeze %dma_wait3A_52 : memref<1x125x1x8x32xf32, #tpu.memory_space<hbm>> -> memref<125x8x32xf32, #tpu.memory_space<hbm>>
    %dma_wait3A_54 = arith.constant 0 : i32
    %dma_wait3A_55 = arith.constant 0 : i32
    %dma_wait3A_56 = tpu.memref_slice %arg4[%dma_wait3A, %dma_wait3A_54, %select_n3A, %dma_wait3A_55, %mul3A_49] : memref<50x125x8x8x128xf32, #tpu.memory_space<hbm>> -> memref<1x125x1x8x32xf32, #tpu.memory_space<hbm>>
    %dma_wait3A_57 = tpu.memref_squeeze %dma_wait3A_56 : memref<1x125x1x8x32xf32, #tpu.memory_space<hbm>> -> memref<125x8x32xf32, #tpu.memory_space<hbm>>
    tpu.wait_dma2 semaphore(%arg12 : memref<!tpu.dma_semaphore, #tpu.memory_space<semaphore_mem>>) src(%arg8 : memref<125x8x32xf32, #tpu.memory_space<vmem>>) dst(%dma_wait3A_57 : memref<125x8x32xf32, #tpu.memory_space<hbm>>)
    %mul3A_58 = arith.constant 32 : i32
    %mul3A_59 = arith.muli %select_n3A_30, %mul3A_58 : i32
    %dma_wait3A_60 = arith.constant 49 : i32
    %dma_wait3A_61 = arith.constant 0 : i32
    %dma_wait3A_62 = arith.constant 0 : i32
    %dma_wait3A_63 = tpu.memref_slice %arg4[%dma_wait3A_60, %dma_wait3A_61, %select_n3A, %dma_wait3A_62, %mul3A_59] : memref<50x125x8x8x128xf32, #tpu.memory_space<hbm>> -> memref<1x125x1x8x32xf32, #tpu.memory_space<hbm>>
    %dma_wait3A_64 = tpu.memref_squeeze %dma_wait3A_63 : memref<1x125x1x8x32xf32, #tpu.memory_space<hbm>> -> memref<125x8x32xf32, #tpu.memory_space<hbm>>
    %dma_wait3A_65 = arith.constant 0 : i32
    %dma_wait3A_66 = arith.constant 0 : i32
    %dma_wait3A_67 = tpu.memref_slice %arg4[%dma_wait3A_60, %dma_wait3A_65, %select_n3A, %dma_wait3A_66, %mul3A_59] : memref<50x125x8x8x128xf32, #tpu.memory_space<hbm>> -> memref<1x125x1x8x32xf32, #tpu.memory_space<hbm>>
    %dma_wait3A_68 = tpu.memref_squeeze %dma_wait3A_67 : memref<1x125x1x8x32xf32, #tpu.memory_space<hbm>> -> memref<125x8x32xf32, #tpu.memory_space<hbm>>
    tpu.wait_dma2 semaphore(%arg13 : memref<!tpu.dma_semaphore, #tpu.memory_space<semaphore_mem>>) src(%arg9 : memref<125x8x32xf32, #tpu.memory_space<vmem>>) dst(%dma_wait3A_68 : memref<125x8x32xf32, #tpu.memory_space<hbm>>)
    return
  }
}

</mosaic_0001>

<sc_bundles>
// kernel: kernel.3.cloned.1.call-start
scs
__scs_entry_jumppad:
0x0: {  	(pc) =	sbr.rel $0x88, $3  }
0x1: {  	(tag) =	ssettag $0x0;
	lr =	simm.s32 $0x1  }
0x2: {  	[smem:$0x3F9F] =	sst lr;
	_ =	strace $0xD0000000  }
0x3: {  	_ = 	snop  }
0x4: {  	_ = 	snop  }
0x5: {  	_ = 	snop  }
0x6: {  	_ = 	snop  }
0x7: {  	_ = 	snop  }
__scs_overlays_trampoline_lowered:
0x8: {  	[smem:$0x3FAE] =	sst s0  }
0x9: {  	[smem:$0x3FAF] =	sst s1  }
0xa: {  	[smem:$0x3FB0] =	sst s2  }
0xb: {  	[smem:$0x3FB1] =	sst s3  }
0xc: {  	[smem:$0x3FB2] =	sst s4  }
0xd: {  	[smem:$0x3FB3] =	sst s5  }
0xe: {  	[smem:$0x3FB4] =	sst s6  }
0xf: {  	[smem:$0x3FB5] =	sst s7  }
0x10: {  	[smem:$0x3FB6] =	sst s8  }
0x11: {  	[smem:$0x3FB7] =	sst s9;
	s0 =	simm.s32 @!p0 $0x0  }
0x12: {  	s1 =	sld [smem:$0x3F9D];
	s0 =	simm.s32 @p0 $0x1  }
0x13: {  	[smem:$0x3FB8] =	sst s0;
	s0 =	simm.s32 @!p1 $0x0  }
0x14: {  	s2 =	sld [smem:$0x3F9C];
	s0 =	simm.s32 @p1 $0x1  }
0x15: {  	[smem:$0x3FB9] =	sst s0;
	s0 =	simm.s32 @!p2 $0x0  }
0x16: {  	s3 =	sld [smem:$0x3FDB];
	s0 =	simm.s32 @p2 $0x1  }
0x17: {  	s4 =	simm.s32 $0x1BF5;
	[smem:$0x3FBB] =	sst s0  }
0x18: {  	s0 =	sld [smem:$0x3F9E];
	_ =	swait.ge [sflag:s4], $0x0  }
0x19: {  	s7 =	sld [smem:$0x3F9F]  }
0x1a: {  	s8 =	sadd.s32 $0xFFFFE003, lr  }
0x1b: {  	s9 =	sadd.s32 $0xFFFFFEF7, lr;
	s5 =	simm.s32 $0xFFFFFFFF;
	p2 =	slt.u32 s8, $0xFFFFF086  }
0x1c: {  	p1 =	slt.u32 s9, $0xF7A;
	s5 =	simm.s32 @!p2 $0x0  }
0x1d: {  	s5 =	simm.s32 @p1 $0x1;
	p0 =	seq.s32 s7, s2  }
0x1e: {  	s7 =	smul.u32 @!p0 $0xF7A, s2;
	p2 =	seq.s32 @!p0 s5, $0x0  }
0x1f: {  	s9 =	smul.u32 $0xF7A, s1;
	s8 =	simm.s32 @!p0 $0x1BF5;
	p2 =	por !p2, p0  }
0x20: {  	[sflag:s8] =	ssyncset.s32 @!p0 $0xFFFFF086;
	s6 =	sadd.s32 @!p0 s3, s7;
	s7 =	simm.s32 @!p0 $0x108  }
0x21: {  	s3 =	sadd.s32 s3, s9;
	s6 =	sadd.s32 @!p0 $0x88, s6;
	s7 =	simm.s32 @p2 $0x1082  }
0x22: {  	[simem:s7], [sflag:s8] =	dma.local @!p0 [hbm:s6], $0xF7A  }
0x23: {  	s9 =	sor.u32 $0xD0000000, s2;
	s6 =	simm.s32 $0x108;
	_ =	swait.ge @!p0 [sflag:s8], $0x0  }
0x24: {  	s3 =	sadd.s32 $0x88, s3;
	s6 =	simm.s32 @!p1 $0x1082;
	[sflag:s4] =	ssyncset.s32 $0xFFFFF086  }
0x25: {  	[simem:s6], [sflag:s4] =	dma.local [hbm:s3], $0xF7A  }
0x26: {  	[smem:$0x3F9F] =	sst s1;
	(tag) =	ssettag s2;
	_ =	strace s9  }
0x27: {  	s1 =	sld [smem:$0x3FAF]  }
0x28: {  	s2 =	sld [smem:$0x3FB0]  }
0x29: {  	s4 =	sld [smem:$0x3FB2]  }
0x2a: {  	p0 =	seq.s32 s5, $0x0;
	s5 =	sld [smem:$0x3FB3]  }
0x2b: {  	s6 =	sld [smem:$0x3FB4]  }
0x2c: {  	s7 =	sld [smem:$0x3FB5]  }
0x2d: {  	s3 =	simm.s32 $0x108;
	s8 =	sld [smem:$0x3FB6]  }
0x2e: {  	s3 =	simm.s32 @!p0 $0x1082;
	s9 =	sld [smem:$0x3FB7]  }
0x2f: {  	lr =	sadd.s32 s0, s3;
	s0 =	sld [smem:$0x3FAE]  }
0x30: {  	s3 =	sld [smem:$0x3FB1]  }
0x31: {  	[smem:$0x3FBA] =	sst s10  }
0x32: {  	s10 =	sld [smem:$0x3FB8];
	_ =	sdelay $0x3  }
0x33: {  	p0 =	seq.s32 s10, $0x1;
	s10 =	sld [smem:$0x3FBA];
	_ =	sdelay $0x3  }
0x34: {  	[smem:$0x3FBA] =	sst s10  }
0x35: {  	s10 =	sld [smem:$0x3FB9];
	_ =	sdelay $0x3  }
0x36: {  	p1 =	seq.s32 s10, $0x1;
	s10 =	sld [smem:$0x3FBA];
	_ =	sdelay $0x3  }
0x37: {  	[smem:$0x3FBA] =	sst s10  }
0x38: {  	s10 =	sld [smem:$0x3FBB]  }
0x39: {  	_ = 	snop;
	(pc) =	sbr.ind lr, $3  }
0x3a: {  	_ = 	snop  }
0x3b: {  	_ = 	snop  }
0x3c: {  	p2 =	seq.s32 s10, $0x1;
	s10 =	sld [smem:$0x3FBA]  }
0x3d: {  	_ =	shalt  }
0x3e: {  	_ =	shalt  }
0x3f: {  	_ =	shalt  }
0x40: {  	_ =	shalt  }
0x41: {  	_ =	shalt  }
0x42: {  	_ =	shalt  }
0x43: {  	_ =	shalt  }
0x44: {  	_ =	shalt  }
0x45: {  	_ =	shalt  }
0x46: {  	_ =	shalt  }
0x47: {  	_ =	shalt  }
0x48: {  	_ =	shalt  }
0x49: {  	_ =	shalt  }
0x4a: {  	_ =	shalt  }
0x4b: {  	_ =	shalt  }
0x4c: {  	_ =	shalt  }
0x4d: {  	_ =	shalt  }
0x4e: {  	_ =	shalt  }
0x4f: {  	_ =	shalt  }
0x50: {  	_ =	shalt  }
0x51: {  	_ =	shalt  }
0x52: {  	_ =	shalt  }
0x53: {  	_ =	shalt  }
0x54: {  	_ =	shalt  }
0x55: {  	_ =	shalt  }
0x56: {  	_ =	shalt  }
0x57: {  	_ =	shalt  }
0x58: {  	_ =	shalt  }
0x59: {  	_ =	shalt  }
0x5a: {  	_ =	shalt  }
0x5b: {  	_ =	shalt  }
0x5c: {  	_ =	shalt  }
0x5d: {  	_ =	shalt  }
0x5e: {  	_ =	shalt  }
0x5f: {  	_ =	shalt  }
0x60: {  	_ =	shalt  }
0x61: {  	_ =	shalt  }
0x62: {  	_ =	shalt  }
0x63: {  	_ =	shalt  }
0x64: {  	_ =	shalt  }
0x65: {  	_ =	shalt  }
0x66: {  	_ =	shalt  }
0x67: {  	_ =	shalt  }
0x68: {  	_ =	shalt  }
0x69: {  	_ =	shalt  }
0x6a: {  	_ =	shalt  }
0x6b: {  	_ =	shalt  }
0x6c: {  	_ =	shalt  }
0x6d: {  	_ =	shalt  }
0x6e: {  	_ =	shalt  }
0x6f: {  	_ =	shalt  }
0x70: {  	_ =	shalt  }
0x71: {  	_ =	shalt  }
0x72: {  	_ =	shalt  }
0x73: {  	_ =	shalt  }
0x74: {  	_ =	shalt  }
0x75: {  	_ =	shalt  }
0x76: {  	_ =	shalt  }
0x77: {  	_ =	shalt  }
0x78: {  	_ =	shalt  }
0x79: {  	_ =	shalt  }
0x7a: {  	_ =	shalt  }
0x7b: {  	_ =	shalt  }
0x7c: {  	_ =	shalt  }
0x7d: {  	_ =	shalt  }
0x7e: {  	_ =	shalt  }
0x7f: {  	_ =	shalt  }
0x80: {  	_ =	shalt  }
0x81: {  	_ =	shalt  }
0x82: {  	_ =	shalt  }
0x83: {  	_ =	shalt  }
0x84: {  	_ =	shalt  }
0x85: {  	_ =	shalt  }
0x86: {  	_ =	shalt  }
0x87: {  	_ =	shalt  }
.Lfunc_end0:
.L_simem_size_0:
called_computation_lowered:
.L_overlay_start_0:
0x88: {  	s2 =	sld [smem:$0x3FD9]  }
0x89: {  	s3 =	sld [smem:$0x3FFE];
	_ =	sdelay $0x1  }
0x8a: {  	s1 =	srdreg.scid  }
0x8b: {  	s0 =	sand.u32 $0x1, s1  }
0x8c: {  	s17 =	sshll.u32 s0, $0xA;
	s2 =	sadd.s32 s3, s2  }
0x8d: {  	s2 =	sadd.s32 s2, s17  }
0x8e: {  	[smem:$0x3FC6] =	sst s2  }
0x8f: {  	_ = 	snop  }
0x90: {  	s2 =	sld [smem:$0x3FD0];
	(tm) =	ssettm $0x1  }
0x91: {  	s18 =	sld [smem:$0x3FFB];
	_ =	sdelay $0x3  }
0x92: {  	_ =	strace s18  }
0x93: {  	s3 =	sld [smem:$0x3FFC];
	_ =	sdelay $0x3  }
0x94: {  	_ =	strace s3  }
0x95: {  	s3 =	sld [smem:$0x3FFD];
	_ =	sdelay $0x3  }
0x96: {  	_ =	strace s3  }
0x97: {  	_ =	strace $0x8FFFFFFF  }
0x98: {  	s19 =	sld [smem:$0x3FDB];
	_ =	sdelay $0x1  }
0x99: {  	s4 =	simm.s32 $_scs_section_size  }
0x9a: {  	s5 =	simm.s32 $_size__tile_overlayer_lowered;
	s6 =	simm.s32 $_tile_overlayer_lowered  }
0x9b: {  	s22 =	simm.s32 $0x1BFF;
	s21 =	sshll.u32 s6, $0x1;
	s3 =	sadd.s32 s4, s19  }
0x9c: {  	s7 =	simm.s32 $0x0;
	s20 =	sshll.u32 s5, $0x1;
	s5 =	sadd.s32 s21, s3  }
0x9d: {  	[timem:s7], [sflag:s22] =	dma.local [hbm:s5], s20  }
0x9e: {  	_ =	swait.ge [sflag:s22], s20  }
0x9f: {  	s4 =	ssub.s32 $0x0, s20;
	[sflag:s22] =	ssyncset.done $0x0  }
0xa0: {  	[sflag:s22] =	ssyncadd.s32 s4;
	_ =	sdelay $0x1  }
0xa1: {  	s23 =	simm.s32 $0x1B8B  }
0xa2: {  	_ =	swait.ge [sflag:s23], $0x1  }
0xa3: {  	[sflag:s23] =	ssyncset.done $0x0  }
0xa4: {  	s25 =	simm.s32 $0x1B8E;
	s24 =	sld [smem:$0x3FFE];
	[sflag:s23] =	ssyncadd.s32 $0xFFFFFFFF  }
0xa5: {  	s26 =	simm.s32 $execute0_lowered;
	[smem:$0x3FD2] =	sst s25  }
0xa6: {  	s5 =	sshll.u32 s26, $0x1;
	_ =	strace $0x80000046;
	[dreg:$0x1] =	wrdreg $0xFFFFFFFF  }
0xa7: {  	s28 =	simm.s32 $_size_execute0_lowered;
	s3 =	sadd.s32 s3, s5;
	[dreg:$0x0] =	wrdreg $0x0  }
0xa8: {  	s5 =	sshll.u32 s28, $0x1;
	[dreg:$0x2] =	wrdreg s3  }
0xa9: {  	[dreg:$0x3] =	wrdreg s5  }
0xaa: {  	[dreg:$0x4] =	wrdreg $0xC0  }
0xab: {  	_ =	task [dreg:s7], $0x5FFFF  }
0xac: {  	[dreg:$0x1] =	wrdreg $0xFFFFFFFF  }
0xad: {  	[dreg:$0x0] =	wrdreg $0x60  }
0xae: {  	[dreg:$0x2] =	wrdreg s24  }
0xaf: {  	[dreg:$0x3] =	wrdreg s2  }
0xb0: {  	[dreg:$0x4] =	wrdreg $0x9  }
0xb1: {  	_ =	task.clear_ibuf [dreg:s7], $0x5FFFF;
	_ =	strace $0x90000046  }
0xb2: {  	s29 =	simm.s32 $0x9;
	_ =	strace $0x80000048  }
0xb3: {  	_ =	swait.ge [sflag:s29], $0x1  }
0xb4: {  	[sflag:s29] =	ssyncadd.s32 $0xFFFFFFFF  }
0xb5: {  	_ =	strace $0x90000048  }
0xb6: {  	_ =	sfence  }
0xb7: {  	s30 =	sld [smem:$0x0];
	_ =	sdelay $0x2  }
0xb8: {  	s31 =	sshll.u32 s1, $0xD;
	s1 =	sshrl.u32 s1, $0x2  }
0xb9: {  	s3 =	sand.u32 $0x4000, s31;
	s1 =	sadd.s32 s1, s30  }
0xba: {  	s0 =	sor.u32 s3, s0;
	s1 =	sshll.u32 s1, $0x11  }
0xbb: {  	s0 =	sor.u32 s1, s0  }
0xbc: {  	s0 =	sadd.s32 $0x8F2B, s0  }
0xbd: {  	[sflag:s0] =	ssyncadd.remote.s32 $0x1  }
0xbe: {  	_ =	sfence.sel $0xFFFF  }
0xbf: {  	[dreg:$0x0] =	wrdreg $0xFFFFFFFF;
	(pc) =	sbr.abs _section_cstart, $3  }
0xc0: {  	[dreg:$0x1] =	wrdreg $0xFFFFFFFF  }
0xc1: {  	_ =	task.clear_ibuf [dreg:s7], $0x2FFFF;
	_ =	strace $0x9FFFFFFF  }
0xc2: {  	(tm) =	ssettm $0x7FFFFFFF  }
0xc3: {  	_ =	shalt  }
tec
execute0_lowered:
.L_overlay_start_1:
0x0: {  	(tag) =	ssettag $0x1  }
0x1: {  	v0 =	vlaneseq.u32  }
0x2: {  	s0 =	stileid.u32;
	s4 =	rddreg [dreg:$0x0];
	v0 =	vmul.u32 $0x3E8, v0  }
0x3: {  	s1 =	srdreg.scid;
	v1 =	vimm.s32 $0x0;
	vm0 =	vcmask $0x300;
	s2 =	rddreg [dreg:$0x1]  }
0x4: {  	s10 =	simm.s32 $0x5;
	s11 =	simm.s32 $0x640;
	s12 =	simm.s32 $0x1;
	v1 =	vsel vm0, $0x3, v1;
	v2 =	vadd.s32 $0x3E80, v0  }
0x5: {  	s13 =	simm.s32 $0x8340;
	s14 =	simm.s32 $0x80;
	s15 =	simm.s32 $0x2;
	v3 =	vor.u32 $0x1, v0;
	v4 =	vadd.s32 $0x3E81, v0;
	v5 =	vor.u32 $0x2, v0  }
0x6: {  	s16 =	simm.s32 $0x3;
	s17 =	simm.s32 $0x4;
	s18 =	simm.s32 $0x0;
	v6 =	vadd.s32 $0x3E82, v0;
	v7 =	vor.u32 $0x3, v0;
	v8 =	vadd.s32 $0x3E83, v0  }
0x7: {  	s3 =	sshll.u32 s0, $0x1;
	s5 =	sand.u32 $0x1, s1;
	s6 =	sshrl.u32 s0, $0x1;
	v9 =	vor.u32 $0x4, v0;
	v10 =	vadd.s32 $0x3E84, v0;
	v11 =	vor.u32 $0x5, v0  }
0x8: {  	s1 =	rddreg [dreg:$0x2];
	s3 =	sand.u32 $0x2, s3;
	s8 =	sshll.u32 s6, $0x7;
	v12 =	vadd.s32 $0x3E85, v0;
	v13 =	vor.u32 $0x6, v0;
	v14 =	vadd.s32 $0x3E86, v0  }
0x9: {  	s31 =	sshll.u32 s6, $0xA;
	s7 =	sor.u32 s5, s3;
	s3 =	simm.s32 $0x0;
	v15 =	vor.u32 $0x7, v0;
	v16 =	vadd.s32 $0x3E87, v0;
	v17 =	vadd.s32 $0x3E0, v0  }
0xa: {  	s5 =	ssub.s32 $0x2, s5;
	v18 =	vadd.s32 $0x4260, v0;
	v19 =	vadd.s32 $0x3E1, v0;
	v20 =	vadd.s32 $0x4261, v0;
	s7 =	sshll.u32 s7, $0x5;
	[smem:$0x7FF] =	sst s3  }
0xb: {  	v21 =	vadd.s32 $0x3E2, v0;
	v22 =	vadd.s32 $0x4262, v0;
	v23 =	vadd.s32 $0x3E3, v0;
	s9 =	sshrl.u32 s5, $0x1;
	s8 =	sor.u32 s8, s7;
	_ =	strace $0x80000047  }
0xc: {  	v24 =	vadd.s32 $0x4263, v0;
	v25 =	vadd.s32 $0x3E4, v0;
	v26 =	vadd.s32 $0x4264, v0;
	s9 =	ssub.s32 s5, s9;
	s7 =	sor.u32 s7, s31;
	s8 =	sshrl.u32 s8, $0x3  }
0xd: {  	v27 =	vadd.s32 $0x3E5, v0;
	v28 =	vadd.s32 $0x4265, v0;
	v29 =	vadd.s32 $0x3E6, v0;
	s6 =	smax.u32 s9, $0x1;
	s9 =	simm.s32 $0x400;
	s8 =	sadd.s32 s8, s4  }
0xe: {  	v30 =	vadd.s32 $0x4266, v0;
	v31 =	vadd.s32 $0x3E7, v0;
	v32 =	vadd.s32 $0x4267, v0;
	s4 =	sadd.s32 $0x1E00, s4;
	s5 =	sadd.s32 $0x400, s8;
	s8 =	simm.s32 $0x20  }
.LBB2_1:
0xf: {  	[tilespmem:s3], [sflag:$0x5] =	stream.strided.gather [hbm4b:s5+s8], $0x640, s9, s8, $0x38;
	[tilespmem:$0x1FA40] =	vst v63  }
0x10: {  	_ =	swait.ge [sflag:s10], $0x640  }
0x11: {  	[sflag:s10] =	ssyncset.done $0x0  }
0x12: {  	s19 =	simm.s32 $0x0;
	[sflag:s10] =	ssyncadd.s32 $0xFFFFF9C0  }
0x13: {  	[tilespmem:s11], [sflag:$0x1] =	stream.indirect.gather [hbm4b:s4+s8], $0x3E8, s3, s8, $0xb8;
	[tilespmem:$0x1FA40] =	vst v63  }
.LBB2_2:
0x14: {  	s20 =	simm.s32 $0x0  }
0x15: {  	v33 =	vmov s20  }
0x16: {  	s21 =	simm.s32 $0x8;
	v33 =	vshrl.u32 v33, $0x3  }
0x17: {  	v34 =	vmov s21;
	v33 =	vshll.u32 v33, v1  }
0x18: {  	_ =	swait.ge [sflag:s12], $0x7D00;
	s24 =	sshll.u32 s19, $0x6;
	v34 =	vshrl.u32 v34, $0x3;
	v39 =	vbroadcast v33, $0x0  }
0x19: {  	p0 =	seq.s32 s19, $0x0;
	[sflag:s12] =	ssyncset.done $0x0;
	s20 =	sand.u32 $0x3FFFFFC0, s24;
	v40 =	vshll.u32 v34, v1  }
0x1a: {  	s21 =	simm.s32 @!p0 $0x3;
	[sflag:s12] =	ssyncadd.s32 $0xFFFF8300;
	s25 =	sor.u32 $0x20, s20;
	v40 =	vbroadcast v40, $0x0;
	v41 =	vadd.s32 v0, v39  }
0x1b: {  	[tilespmem:s13], [sflag:$0x2] =	stream.indirect.gather [hbm4b:s4+s8], $0x3E8, s25, s8, $0xb8;
	[tilespmem:$0x1FA40] =	vst v63  }
0x1c: {  	_ =	swait.ge @!p0 [sflag:s21], $0x7D00;
	v42 =	vadd.s32 v0, v40  }
0x1d: {  	[sflag:s21] =	ssyncset.done @!p0 $0x0  }
0x1e: {  	[sflag:s21] =	ssyncadd.s32 @!p0 $0xFFFF8300  }
0x1f: {  	v33 =	vld.idx.msk [tilespmem:v41+s11+$0x0], $0xffff  }
0x20: {  	v35 =	vadd.s32 v2, v39  }
0x21: {  	v34 =	vld.idx.msk [tilespmem:v42+s11+$0x0], $0xffff  }
0x22: {  	v36 =	vadd.s32 v2, v40  }
0x23: {  	s22 =	simm.s32 $0x10140  }
0x24: {  	[tilespmem:s22+$0xFFFFFF00] =	vst v33  }
0x25: {  	v33 =	vld.idx.msk [tilespmem:v35+s11+$0x0], $0xffff  }
0x26: {  	v43 =	vadd.s32 v3, v39;
	[tilespmem:s22+$0x0] =	vst v34  }
0x27: {  	v34 =	vld.idx.msk [tilespmem:v36+s11+$0x0], $0xffff  }
0x28: {  	v44 =	vadd.s32 v3, v40  }
0x29: {  	s26 =	simm.s32 $0x10  }
0x2a: {  	s29 =	simm.s32 $0x18;
	v45 =	vmov s26;
	[tilespmem:s22+$0xFFFFFF10] =	vst v33  }
0x2b: {  	v46 =	vmov s29;
	v33 =	vshrl.u32 v45, $0x3;
	v35 =	vld.idx.msk [tilespmem:v43+s11+$0x0], $0xffff  }
0x2c: {  	v37 =	vadd.s32 v4, v39;
	[tilespmem:s22+$0x10] =	vst v34;
	v34 =	vshrl.u32 v46, $0x3;
	v33 =	vshll.u32 v33, v1  }
0x2d: {  	v36 =	vld.idx.msk [tilespmem:v44+s11+$0x0], $0xffff;
	v34 =	vshll.u32 v34, v1;
	v33 =	vbroadcast v33, $0x0  }
0x2e: {  	v38 =	vadd.s32 v4, v40;
	v34 =	vbroadcast v34, $0x0  }
0x2f: {  	v47 =	vadd.s32 v0, v33  }
0x30: {  	v41 =	vadd.s32 v0, v34;
	[tilespmem:s22+$0xFFFFFF20] =	vst v35  }
0x31: {  	v37 =	vld.idx.msk [tilespmem:v37+s11+$0x0], $0xffff  }
0x32: {  	v48 =	vadd.s32 v5, v39;
	[tilespmem:s22+$0x20] =	vst v36  }
0x33: {  	v38 =	vld.idx.msk [tilespmem:v38+s11+$0x0], $0xffff  }
0x34: {  	v42 =	vadd.s32 v5, v40;
	v35 =	vld.idx.msk [tilespmem:v47+s11+$0x0], $0xffff  }
0x35: {  	v49 =	vadd.s32 v2, v33;
	v41 =	vld.idx.msk [tilespmem:v41+s11+$0x0], $0xffff  }
0x36: {  	v43 =	vadd.s32 v2, v34;
	[tilespmem:s22+$0xFFFFFF30] =	vst v37  }
0x37: {  	v36 =	vld.idx.msk [tilespmem:v48+s11+$0x0], $0xffff  }
0x38: {  	v50 =	vadd.s32 v6, v39;
	s21 =	simm.s32 $0x10340;
	[tilespmem:s22+$0x30] =	vst v38  }
0x39: {  	v42 =	vld.idx.msk [tilespmem:v42+s11+$0x0], $0xffff;
	[tilespmem:s21+$0xFFFFFF00] =	vst v35  }
0x3a: {  	v44 =	vadd.s32 v6, v40;
	[tilespmem:s21+$0x0] =	vst v41;
	v35 =	vld.idx.msk [tilespmem:v49+s11+$0x0], $0xffff  }
0x3b: {  	v51 =	vadd.s32 v3, v33;
	v52 =	vld.idx.msk [tilespmem:v43+s11+$0x0], $0xffff  }
0x3c: {  	v53 =	vadd.s32 v3, v34;
	[tilespmem:s22+$0xFFFFFF40] =	vst v36  }
0x3d: {  	v38 =	vld.idx.msk [tilespmem:v50+s11+$0x0], $0xffff  }
0x3e: {  	v54 =	vadd.s32 v7, v39;
	[tilespmem:s22+$0x40] =	vst v42  }
0x3f: {  	v55 =	vld.idx.msk [tilespmem:v44+s11+$0x0], $0xffff;
	[tilespmem:s21+$0xFFFFFF10] =	vst v35  }
0x40: {  	v56 =	vadd.s32 v7, v40;
	[tilespmem:s21+$0x10] =	vst v52;
	v35 =	vld.idx.msk [tilespmem:v51+s11+$0x0], $0xffff  }
0x41: {  	v57 =	vadd.s32 v4, v33;
	v37 =	vld.idx.msk [tilespmem:v53+s11+$0x0], $0xffff  }
0x42: {  	v58 =	vadd.s32 v4, v34;
	[tilespmem:s22+$0xFFFFFF50] =	vst v38  }
0x43: {  	s23 =	simm.s32 $0x20;
	v38 =	vld.idx.msk [tilespmem:v54+s11+$0x0], $0xffff  }
0x44: {  	v61 =	vmov s23;
	v59 =	vadd.s32 v8, v39;
	[tilespmem:s22+$0x50] =	vst v55  }
0x45: {  	s30 =	simm.s32 $0x28;
	v43 =	vld.idx.msk [tilespmem:v56+s11+$0x0], $0xffff;
	[tilespmem:s21+$0xFFFFFF20] =	vst v35;
	v35 =	vshrl.u32 v61, $0x3  }
0x46: {  	v62 =	vmov s30;
	v60 =	vadd.s32 v8, v40;
	[tilespmem:s21+$0x20] =	vst v37;
	v45 =	vld.idx.msk [tilespmem:v57+s11+$0x0], $0xffff;
	v35 =	vshll.u32 v35, v1  }
0x47: {  	v63 =	vadd.s32 v5, v33;
	v36 =	vshrl.u32 v62, $0x3;
	v48 =	vld.idx.msk [tilespmem:v58+s11+$0x0], $0xffff;
	v35 =	vbroadcast v35, $0x0  }
0x48: {  	v50 =	vadd.s32 v5, v34;
	v36 =	vshll.u32 v36, v1;
	[tilespmem:s22+$0xFFFFFF60] =	vst v38  }
0x49: {  	v36 =	vbroadcast v36, $0x0;
	v46 =	vadd.s32 v0, v35;
	v49 =	vld.idx.msk [tilespmem:v59+s11+$0x0], $0xffff  }
0x4a: {  	v51 =	vadd.s32 v9, v39;
	[tilespmem:s22+$0x60] =	vst v43  }
0x4b: {  	v52 =	vadd.s32 v0, v36;
	v44 =	vld.idx.msk [tilespmem:v60+s11+$0x0], $0xffff;
	[tilespmem:s21+$0xFFFFFF30] =	vst v45  }
0x4c: {  	v47 =	vadd.s32 v9, v40;
	[tilespmem:s21+$0x30] =	vst v48;
	v37 =	vld.idx.msk [tilespmem:v63+s11+$0x0], $0xffff  }
0x4d: {  	v53 =	vadd.s32 v6, v33;
	v54 =	vld.idx.msk [tilespmem:v50+s11+$0x0], $0xffff  }
0x4e: {  	v56 =	vadd.s32 v6, v34;
	v46 =	vld.idx.msk [tilespmem:v46+s11+$0x0], $0xffff;
	[tilespmem:s22+$0xFFFFFF70] =	vst v49  }
0x4f: {  	v48 =	vadd.s32 v2, v35;
	v55 =	vld.idx.msk [tilespmem:v51+s11+$0x0], $0xffff  }
0x50: {  	v57 =	vadd.s32 v10, v39;
	v45 =	vld.idx.msk [tilespmem:v52+s11+$0x0], $0xffff;
	[tilespmem:s22+$0x70] =	vst v44  }
0x51: {  	v58 =	vadd.s32 v2, v36;
	v47 =	vld.idx.msk [tilespmem:v47+s11+$0x0], $0xffff;
	[tilespmem:s21+$0xFFFFFF40] =	vst v37  }
0x52: {  	s23 =	simm.s32 $0x10540;
	v49 =	vadd.s32 v10, v40;
	[tilespmem:s21+$0x40] =	vst v54;
	v37 =	vld.idx.msk [tilespmem:v53+s11+$0x0], $0xffff  }
0x53: {  	v59 =	vadd.s32 v7, v33;
	v60 =	vld.idx.msk [tilespmem:v56+s11+$0x0], $0xffff;
	[tilespmem:s23+$0xFFFFFF00] =	vst v46  }
0x54: {  	v62 =	vadd.s32 v7, v34;
	v52 =	vld.idx.msk [tilespmem:v48+s11+$0x0], $0xffff;
	[tilespmem:s22+$0xFFFFFF80] =	vst v55  }
0x55: {  	[tilespmem:s23+$0x0] =	vst v45;
	v54 =	vadd.s32 v3, v35;
	v61 =	vld.idx.msk [tilespmem:v57+s11+$0x0], $0xffff  }
0x56: {  	v63 =	vadd.s32 v11, v39;
	v38 =	vld.idx.msk [tilespmem:v58+s11+$0x0], $0xffff;
	[tilespmem:s22+$0x80] =	vst v47  }
0x57: {  	v53 =	vld.idx.msk [tilespmem:v49+s11+$0x0], $0xffff;
	[tilespmem:s21+$0xFFFFFF50] =	vst v37  }
0x58: {  	v55 =	vadd.s32 v11, v40;
	[tilespmem:s21+$0x50] =	vst v60;
	v37 =	vld.idx.msk [tilespmem:v59+s11+$0x0], $0xffff  }
0x59: {  	v56 =	vadd.s32 v3, v36;
	v58 =	vld.idx.msk [tilespmem:v62+s11+$0x0], $0xffff;
	[tilespmem:s23+$0xFFFFFF10] =	vst v52  }
0x5a: {  	v57 =	vadd.s32 v8, v33;
	v62 =	vld.idx.msk [tilespmem:v54+s11+$0x0], $0xffff;
	[tilespmem:s22+$0xFFFFFF90] =	vst v61  }
0x5b: {  	[tilespmem:s23+$0x10] =	vst v38;
	v60 =	vadd.s32 v8, v34;
	v59 =	vld.idx.msk [tilespmem:v63+s11+$0x0], $0xffff  }
0x5c: {  	[tilespmem:s22+$0x90] =	vst v53;
	v63 =	vadd.s32 v4, v35  }
0x5d: {  	v61 =	vadd.s32 v12, v39;
	v45 =	vld.idx.msk [tilespmem:v55+s11+$0x0], $0xffff;
	[tilespmem:s21+$0xFFFFFF60] =	vst v37  }
0x5e: {  	v38 =	vld.idx.msk [tilespmem:v56+s11+$0x0], $0xffff;
	v52 =	vadd.s32 v12, v40;
	[tilespmem:s21+$0x60] =	vst v58  }
0x5f: {  	v53 =	vld.idx.msk [tilespmem:v57+s11+$0x0], $0xffff;
	v57 =	vadd.s32 v4, v36;
	[tilespmem:s23+$0xFFFFFF20] =	vst v62  }
0x60: {  	v58 =	vadd.s32 v9, v33;
	[tilespmem:s22+$0xFFFFFFA0] =	vst v59;
	v59 =	vld.idx.msk [tilespmem:v60+s11+$0x0], $0xffff  }
0x61: {  	s24 =	simm.s32 $0x30;
	v60 =	vadd.s32 v9, v34;
	v62 =	vld.idx.msk [tilespmem:v63+s11+$0x0], $0xffff  }
0x62: {  	s31 =	simm.s32 $0x38;
	v55 =	vadd.s32 v5, v35;
	[tilespmem:s22+$0xA0] =	vst v45;
	v47 =	vld.idx.msk [tilespmem:v61+s11+$0x0], $0xffff;
	v61 =	vmov s24  }
0x63: {  	v56 =	vmov s31;
	[tilespmem:s23+$0x20] =	vst v38;
	v63 =	vadd.s32 v13, v39;
	v50 =	vld.idx.msk [tilespmem:v52+s11+$0x0], $0xffff;
	v48 =	vshrl.u32 v61, $0x3  }
0x64: {  	v38 =	vshrl.u32 v56, $0x3;
	v42 =	vld.idx.msk [tilespmem:v57+s11+$0x0], $0xffff;
	[tilespmem:s21+$0xFFFFFF70] =	vst v53;
	v57 =	vadd.s32 v13, v40;
	v54 =	vshll.u32 v48, v1  }
0x65: {  	v51 =	vadd.s32 v5, v36;
	v38 =	vshll.u32 v38, v1;
	v43 =	vld.idx.msk [tilespmem:v58+s11+$0x0], $0xffff;
	v37 =	vbroadcast v54, $0x0;
	[tilespmem:s21+$0x70] =	vst v59  }
0x66: {  	v38 =	vbroadcast v38, $0x0;
	[tilespmem:s23+$0xFFFFFF30] =	vst v62;
	v59 =	vadd.s32 v10, v33;
	v46 =	vld.idx.msk [tilespmem:v60+s11+$0x0], $0xffff  }
0x67: {  	[tilespmem:s22+$0xFFFFFFB0] =	vst v47;
	v58 =	vadd.s32 v0, v37;
	v48 =	vld.idx.msk [tilespmem:v55+s11+$0x0], $0xffff  }
0x68: {  	v61 =	vadd.s32 v0, v38;
	[tilespmem:s22+$0xB0] =	vst v50;
	v47 =	vld.idx.msk [tilespmem:v63+s11+$0x0], $0xffff  }
0x69: {  	v60 =	vadd.s32 v10, v34;
	[tilespmem:s23+$0x30] =	vst v42;
	v41 =	vld.idx.msk [tilespmem:v57+s11+$0x0], $0xffff  }
0x6a: {  	v62 =	vadd.s32 v6, v35;
	v51 =	vld.idx.msk [tilespmem:v51+s11+$0x0], $0xffff;
	[tilespmem:s21+$0xFFFFFF80] =	vst v43  }
0x6b: {  	v56 =	vadd.s32 v14, v40;
	v45 =	vld.idx.msk [tilespmem:v59+s11+$0x0], $0xffff  }
0x6c: {  	v52 =	vadd.s32 v6, v36;
	v63 =	vld.idx.msk [tilespmem:v58+s11+$0x0], $0xffff;
	[tilespmem:s21+$0x80] =	vst v46  }
0x6d: {  	v59 =	vadd.s32 v11, v33;
	v58 =	vld.idx.msk [tilespmem:v61+s11+$0x0], $0xffff;
	[tilespmem:s23+$0xFFFFFF40] =	vst v48  }
0x6e: {  	v57 =	vadd.s32 v2, v37;
	v49 =	vld.idx.msk [tilespmem:v60+s11+$0x0], $0xffff;
	[tilespmem:s22+$0xFFFFFFC0] =	vst v47  }
0x6f: {  	v61 =	vadd.s32 v2, v38;
	v42 =	vld.idx.msk [tilespmem:v62+s11+$0x0], $0xffff;
	[tilespmem:s22+$0xC0] =	vst v41  }
0x70: {  	v60 =	vadd.s32 v11, v34;
	[tilespmem:s23+$0x40] =	vst v51;
	v44 =	vld.idx.msk [tilespmem:v56+s11+$0x0], $0xffff  }
0x71: {  	s25 =	simm.s32 $0x10740;
	v62 =	vadd.s32 v7, v35;
	v51 =	vld.idx.msk [tilespmem:v52+s11+$0x0], $0xffff;
	[tilespmem:s21+$0xFFFFFF90] =	vst v45  }
0x72: {  	v55 =	vadd.s32 v7, v36;
	[tilespmem:s25+$0xFFFFFF00] =	vst v63;
	v48 =	vld.idx.msk [tilespmem:v59+s11+$0x0], $0xffff  }
0x73: {  	v63 =	vadd.s32 v14, v39;
	[tilespmem:s25+$0x0] =	vst v58;
	v46 =	vld.idx.msk [tilespmem:v57+s11+$0x0], $0xffff  }
0x74: {  	v58 =	vadd.s32 v15, v40;
	[tilespmem:s21+$0x90] =	vst v49;
	v41 =	vld.idx.msk [tilespmem:v61+s11+$0x0], $0xffff  }
0x75: {  	v56 =	vadd.s32 v3, v37;
	[tilespmem:s23+$0xFFFFFF50] =	vst v42;
	v47 =	vld.idx.msk [tilespmem:v60+s11+$0x0], $0xffff  }
0x76: {  	v57 =	vadd.s32 v12, v33;
	v43 =	vld.idx.msk [tilespmem:v62+s11+$0x0], $0xffff;
	[tilespmem:s23+$0x50] =	vst v51  }
0x77: {  	v59 =	vadd.s32 v3, v38;
	[tilespmem:s22+$0xD0] =	vst v44;
	v45 =	vld.idx.msk [tilespmem:v55+s11+$0x0], $0xffff  }
0x78: {  	v61 =	vadd.s32 v8, v35;
	v60 =	vld.idx.msk [tilespmem:v63+s11+$0x0], $0xffff;
	[tilespmem:s21+$0xFFFFFFA0] =	vst v48  }
0x79: {  	v63 =	vadd.s32 v8, v36;
	v44 =	vld.idx.msk [tilespmem:v58+s11+$0x0], $0xffff;
	[tilespmem:s25+$0xFFFFFF10] =	vst v46  }
0x7a: {  	v62 =	vadd.s32 v15, v39;
	[tilespmem:s25+$0x10] =	vst v41;
	v53 =	vld.idx.msk [tilespmem:v56+s11+$0x0], $0xffff  }
0x7b: {  	v55 =	vadd.s32 v4, v37;
	v54 =	vld.idx.msk [tilespmem:v57+s11+$0x0], $0xffff;
	[tilespmem:s23+$0xFFFFFF60] =	vst v43  }
0x7c: {  	v49 =	vld.idx.msk [tilespmem:v59+s11+$0x0], $0xffff;
	[tilespmem:s23+$0x60] =	vst v45;
	v45 =	vadd.s32 v12, v34  }
0x7d: {  	v40 =	vadd.s32 v16, v40;
	[tilespmem:s21+$0xA0] =	vst v47;
	v46 =	vld.idx.msk [tilespmem:v61+s11+$0x0], $0xffff  }
0x7e: {  	v51 =	vadd.s32 v4, v38;
	[tilespmem:s22+$0xFFFFFFD0] =	vst v60;
	v47 =	vld.idx.msk [tilespmem:v63+s11+$0x0], $0xffff  }
0x7f: {  	v42 =	vadd.s32 v9, v36;
	v48 =	vadd.s32 v9, v35;
	v43 =	vld.idx.msk [tilespmem:v62+s11+$0x0], $0xffff;
	[tilespmem:s25+$0xFFFFFF20] =	vst v53  }
0x80: {  	s28 =	simm.s32 $0x40;
	s26 =	simm.s32 $0x6;
	s24 =	sshll.u32 s19, $0x1;
	v39 =	vadd.s32 v16, v39;
	v41 =	vadd.s32 v9, v38;
	[tilespmem:s21+$0xFFFFFFB0] =	vst v54;
	v50 =	vld.idx.msk [tilespmem:v55+s11+$0x0], $0xffff  }
.LBB2_3:
0x81: {  	v52 =	vmov s28;
	s29 =	sadd.s32 $0x8, s28;
	s26 =	sadd.s32 $0x2, s26;
	v45 =	vld.idx.msk [tilespmem:v45+s11+$0x0], $0xffff;
	[tilespmem:s22+$0xE0] =	vst v44  }
0x82: {  	v44 =	vshrl.u32 v52, $0x3;
	v52 =	vmov s29;
	p1 =	slt.u32 s26, $0x7A;
	[tilespmem:s25+$0x20] =	vst v49;
	v49 =	vadd.s32 v13, v33;
	v40 =	vld.idx.msk [tilespmem:v40+s11+$0x0], $0xffff  }
0x83: {  	v53 =	vadd.s32 v5, v37;
	v44 =	vshll.u32 v44, v1;
	v52 =	vshrl.u32 v52, $0x3;
	v51 =	vld.idx.msk [tilespmem:v51+s11+$0x0], $0xffff;
	[tilespmem:s23+$0xFFFFFF70] =	vst v46  }
0x84: {  	v44 =	vbroadcast v44, $0x0;
	v46 =	vshll.u32 v52, v1;
	v48 =	vld.idx.msk [tilespmem:v48+s11+$0x0], $0xffff;
	v52 =	vadd.s32 v13, v34;
	[tilespmem:s22+$0xFFFFFFE0] =	vst v43  }
0x85: {  	v43 =	vbroadcast v46, $0x0;
	v46 =	vadd.s32 v5, v38;
	[tilespmem:s23+$0x70] =	vst v47;
	v39 =	vld.idx.msk [tilespmem:v39+s11+$0x0], $0xffff  }
0x86: {  	v47 =	vadd.s32 v0, v44;
	[tilespmem:s25+$0xFFFFFF30] =	vst v50;
	v50 =	vadd.s32 v10, v35;
	v54 =	vld.idx.msk [tilespmem:v42+s11+$0x0], $0xffff;
	v42 =	vmov v41  }
0x87: {  	v55 =	vadd.s32 v0, v43;
	v41 =	vadd.s32 v9, v43;
	v49 =	vld.idx.msk [tilespmem:v49+s11+$0x0], $0xffff;
	[tilespmem:s21+$0xB0] =	vst v45  }
0x88: {  	v45 =	vld.idx.msk [tilespmem:v53+s11+$0x0], $0xffff;
	v53 =	vadd.s32 v10, v36;
	[tilespmem:s22+$0xF0] =	vst v40  }
0x89: {  	[tilespmem:s25+$0x30] =	vst v51;
	v40 =	vld.idx.msk [tilespmem:v52+s11+$0x0], $0xffff  }
0x8a: {  	v51 =	vadd.s32 v6, v37;
	v46 =	vld.idx.msk [tilespmem:v46+s11+$0x0], $0xffff;
	[tilespmem:s23+$0xFFFFFF80] =	vst v48  }
0x8b: {  	v48 =	vadd.s32 v14, v34;
	v47 =	vld.idx.msk [tilespmem:v47+s11+$0x0], $0xffff;
	[tilespmem:s22+$0xFFFFFFF0] =	vst v39;
	s22 =	smov.u32 s21;
	s21 =	smov.u32 s23;
	s23 =	smov.u32 s25  }
0x8c: {  	v39 =	vadd.s32 v6, v38;
	v50 =	vld.idx.msk [tilespmem:v50+s11+$0x0], $0xffff;
	[tilespmem:s21+$0x80] =	vst v54  }
0x8d: {  	v52 =	vadd.s32 v2, v44;
	v53 =	vld.idx.msk [tilespmem:v53+s11+$0x0], $0xffff;
	[tilespmem:s22+$0xFFFFFFC0] =	vst v49  }
0x8e: {  	v49 =	vld.idx.msk [tilespmem:v55+s11+$0x0], $0xffff;
	[tilespmem:s25+$0xFFFFFF40] =	vst v45;
	v45 =	vadd.s32 v11, v35  }
0x8f: {  	v54 =	vadd.s32 v11, v36;
	v51 =	vld.idx.msk [tilespmem:v51+s11+$0x0], $0xffff;
	[tilespmem:s22+$0xC0] =	vst v40  }
0x90: {  	s25 =	sadd.s32 $0x200, s25;
	v40 =	vadd.s32 v2, v43;
	[tilespmem:s23+$0x40] =	vst v46;
	v46 =	vld.idx.msk [tilespmem:v48+s11+$0x0], $0xffff  }
0x91: {  	v48 =	vadd.s32 v14, v33;
	[tilespmem:s25+$0xFFFFFF00] =	vst v47;
	v47 =	vadd.s32 v7, v37;
	v39 =	vld.idx.msk [tilespmem:v39+s11+$0x0], $0xffff  }
0x92: {  	v52 =	vld.idx.msk [tilespmem:v52+s11+$0x0], $0xffff;
	[tilespmem:s21+$0xFFFFFF90] =	vst v50;
	v50 =	vadd.s32 v15, v33  }
0x93: {  	v55 =	vadd.s32 v7, v38;
	v45 =	vld.idx.msk [tilespmem:v45+s11+$0x0], $0xffff;
	[tilespmem:s21+$0x90] =	vst v53  }
0x94: {  	v53 =	vadd.s32 v3, v44;
	[tilespmem:s25+$0x0] =	vst v49;
	v49 =	vld.idx.msk [tilespmem:v54+s11+$0x0], $0xffff  }
0x95: {  	v40 =	vld.idx.msk [tilespmem:v40+s11+$0x0], $0xffff;
	[tilespmem:s23+$0xFFFFFF50] =	vst v51;
	v51 =	vadd.s32 v12, v35  }
0x96: {  	v47 =	vld.idx.msk [tilespmem:v47+s11+$0x0], $0xffff;
	[tilespmem:s22+$0xD0] =	vst v46;
	v46 =	vadd.s32 v15, v34  }
0x97: {  	v54 =	vadd.s32 v3, v43;
	[tilespmem:s23+$0x50] =	vst v39;
	v48 =	vld.idx.msk [tilespmem:v48+s11+$0x0], $0xffff  }
0x98: {  	[tilespmem:s25+$0xFFFFFF10] =	vst v52;
	v52 =	vadd.s32 v8, v37;
	v55 =	vld.idx.msk [tilespmem:v55+s11+$0x0], $0xffff  }
0x99: {  	v39 =	vadd.s32 v16, v33;
	v33 =	vmovc v35;
	v35 =	vmov v37;
	v37 =	vmov v44;
	v53 =	vld.idx.msk [tilespmem:v53+s11+$0x0], $0xffff;
	[tilespmem:s21+$0xFFFFFFA0] =	vst v45  }
0x9a: {  	v56 =	vadd.s32 v8, v38;
	v57 =	vld.idx.msk [tilespmem:v51+s11+$0x0], $0xffff;
	[tilespmem:s21+$0xA0] =	vst v49  }
0x9b: {  	v58 =	vadd.s32 v4, v37;
	[tilespmem:s25+$0x10] =	vst v40;
	v44 =	vld.idx.msk [tilespmem:v46+s11+$0x0], $0xffff  }
.Ltmp0:
0x9c: {  	v45 =	vadd.s32 v12, v36;
	v49 =	vld.idx.msk [tilespmem:v54+s11+$0x0], $0xffff;
	[tilespmem:s23+$0xFFFFFF60] =	vst v47;
	(pc) =	sbr.rel @p1 .LBB2_3-.Ltmp0, $4  }
0x9d: {  	v40 =	vadd.s32 v16, v34;
	v34 =	vmovc v36;
	v36 =	vmov v38;
	v38 =	vmov v43;
	v46 =	vld.idx.msk [tilespmem:v52+s11+$0x0], $0xffff;
	[tilespmem:s22+$0xFFFFFFD0] =	vst v48  }
0x9e: {  	v51 =	vadd.s32 v4, v38;
	[tilespmem:s23+$0x60] =	vst v55;
	v43 =	vld.idx.msk [tilespmem:v50+s11+$0x0], $0xffff  }
0x9f: {  	v48 =	vadd.s32 v9, v35;
	[tilespmem:s25+$0xFFFFFF20] =	vst v53;
	v47 =	vld.idx.msk [tilespmem:v56+s11+$0x0], $0xffff  }
0xa0: {  	s28 =	sadd.s32 $0x10, s28;
	v50 =	vld.idx.msk [tilespmem:v58+s11+$0x0], $0xffff;
	[tilespmem:s21+$0xFFFFFFB0] =	vst v57  }
0xa1: {  	_ =	sdelay $0x2  }
0xa2: {  	[tilespmem:s25+$0x20] =	vst v49  }
0xa3: {  	v52 =	vadd.s32 v5, v37;
	v49 =	vld.idx.msk [tilespmem:v51+s11+$0x0], $0xffff  }
0xa4: {  	v59 =	vadd.s32 v5, v38;
	_ =	sdelay $0x2  }
0xa5: {  	[tilespmem:s25+$0xFFFFFF30] =	vst v50  }
0xa6: {  	v50 =	vld.idx.msk [tilespmem:v52+s11+$0x0], $0xffff;
	[tilespmem:s25+$0x30] =	vst v49  }
0xa7: {  	v61 =	vadd.s32 v6, v37;
	v49 =	vld.idx.msk [tilespmem:v59+s11+$0x0], $0xffff  }
0xa8: {  	v60 =	vadd.s32 v6, v38;
	_ =	sdelay $0x2  }
0xa9: {  	[tilespmem:s25+$0xFFFFFF40] =	vst v50  }
0xaa: {  	v50 =	vld.idx.msk [tilespmem:v61+s11+$0x0], $0xffff;
	[tilespmem:s25+$0x40] =	vst v49  }
0xab: {  	v63 =	vadd.s32 v7, v37;
	v49 =	vld.idx.msk [tilespmem:v60+s11+$0x0], $0xffff  }
0xac: {  	v62 =	vadd.s32 v7, v38;
	_ =	sdelay $0x2  }
0xad: {  	[tilespmem:s25+$0xFFFFFF50] =	vst v50  }
0xae: {  	v50 =	vld.idx.msk [tilespmem:v63+s11+$0x0], $0xffff;
	[tilespmem:s25+$0x50] =	vst v49  }
0xaf: {  	v57 =	vadd.s32 v8, v37;
	v49 =	vld.idx.msk [tilespmem:v62+s11+$0x0], $0xffff  }
0xb0: {  	v56 =	vadd.s32 v8, v38;
	_ =	sdelay $0x2  }
0xb1: {  	[tilespmem:s25+$0xFFFFFF60] =	vst v50  }
0xb2: {  	v50 =	vld.idx.msk [tilespmem:v57+s11+$0x0], $0xffff;
	[tilespmem:s25+$0x60] =	vst v49  }
0xb3: {  	v58 =	vadd.s32 v9, v37;
	v49 =	vld.idx.msk [tilespmem:v56+s11+$0x0], $0xffff  }
0xb4: {  	[tilespmem:s23+$0x70] =	vst v47  }
0xb5: {  	[tilespmem:s23+$0xFFFFFF70] =	vst v46;
	v42 =	vld.idx.msk [tilespmem:v42+s11+$0x0], $0xffff  }
0xb6: {  	v46 =	vld.idx.msk [tilespmem:v48+s11+$0x0], $0xffff;
	v59 =	vadd.s32 v10, v36  }
0xb7: {  	v60 =	vadd.s32 v10, v35;
	[tilespmem:s25+$0xFFFFFF70] =	vst v50  }
0xb8: {  	v61 =	vld.idx.msk [tilespmem:v58+s11+$0x0], $0xffff;
	[tilespmem:s25+$0x70] =	vst v49  }
0xb9: {  	v63 =	vadd.s32 v10, v37;
	v41 =	vld.idx.msk [tilespmem:v41+s11+$0x0], $0xffff  }
0xba: {  	[tilespmem:s23+$0x80] =	vst v42;
	v62 =	vadd.s32 v10, v38  }
0xbb: {  	[tilespmem:s23+$0xFFFFFF80] =	vst v46;
	v42 =	vld.idx.msk [tilespmem:v59+s11+$0x0], $0xffff  }
0xbc: {  	v53 =	vadd.s32 v11, v36;
	v46 =	vld.idx.msk [tilespmem:v60+s11+$0x0], $0xffff  }
0xbd: {  	v54 =	vadd.s32 v11, v35;
	[tilespmem:s25+$0xFFFFFF80] =	vst v61  }
0xbe: {  	v49 =	vld.idx.msk [tilespmem:v63+s11+$0x0], $0xffff;
	[tilespmem:s25+$0x80] =	vst v41  }
0xbf: {  	v57 =	vadd.s32 v11, v37;
	v55 =	vld.idx.msk [tilespmem:v62+s11+$0x0], $0xffff  }
0xc0: {  	v45 =	vld.idx.msk [tilespmem:v45+s11+$0x0], $0xffff;
	[tilespmem:s23+$0x90] =	vst v42;
	v56 =	vadd.s32 v11, v38  }
0xc1: {  	v52 =	vadd.s32 v13, v33;
	v42 =	vld.idx.msk [tilespmem:v53+s11+$0x0], $0xffff;
	[tilespmem:s23+$0xFFFFFF90] =	vst v46  }
0xc2: {  	[tilespmem:s22+$0xFFFFFFE0] =	vst v43;
	v58 =	vadd.s32 v12, v36;
	v41 =	vld.idx.msk [tilespmem:v54+s11+$0x0], $0xffff  }
0xc3: {  	v39 =	vld.idx.msk [tilespmem:v39+s11+$0x0], $0xffff;
	v59 =	vadd.s32 v12, v35;
	[tilespmem:s25+$0xFFFFFF90] =	vst v49  }
0xc4: {  	v63 =	vadd.s32 v13, v34;
	v60 =	vld.idx.msk [tilespmem:v57+s11+$0x0], $0xffff;
	[tilespmem:s25+$0x90] =	vst v55  }
0xc5: {  	[tilespmem:s22+$0xE0] =	vst v44;
	v62 =	vadd.s32 v12, v37;
	v48 =	vld.idx.msk [tilespmem:v56+s11+$0x0], $0xffff  }
0xc6: {  	[tilespmem:s23+$0xA0] =	vst v42;
	v42 =	vld.idx.msk [tilespmem:v52+s11+$0x0], $0xffff;
	v61 =	vadd.s32 v12, v38  }
0xc7: {  	v53 =	vld.idx.msk [tilespmem:v58+s11+$0x0], $0xffff;
	[tilespmem:s23+$0xFFFFFFA0] =	vst v41  }
0xc8: {  	[tilespmem:s21+$0xB0] =	vst v45;
	v54 =	vld.idx.msk [tilespmem:v59+s11+$0x0], $0xffff;
	v55 =	vadd.s32 v13, v36  }
0xc9: {  	v56 =	vadd.s32 v13, v35;
	[tilespmem:s25+$0xFFFFFFA0] =	vst v60;
	v60 =	vld.idx.msk [tilespmem:v63+s11+$0x0], $0xffff  }
0xca: {  	v63 =	vadd.s32 v14, v33;
	v58 =	vld.idx.msk [tilespmem:v62+s11+$0x0], $0xffff;
	[tilespmem:s25+$0xA0] =	vst v48  }
0xcb: {  	[tilespmem:s22+$0xFFFFFFF0] =	vst v39;
	v57 =	vld.idx.msk [tilespmem:v61+s11+$0x0], $0xffff;
	v61 =	vadd.s32 v13, v37  }
0xcc: {  	v40 =	vld.idx.msk [tilespmem:v40+s11+$0x0], $0xffff;
	[tilespmem:s23+$0xB0] =	vst v53;
	v59 =	vadd.s32 v13, v38  }
0xcd: {  	v62 =	vadd.s32 v14, v34;
	[tilespmem:s23+$0xFFFFFFB0] =	vst v54;
	v52 =	vld.idx.msk [tilespmem:v55+s11+$0x0], $0xffff  }
0xce: {  	[tilespmem:s21+$0xFFFFFFC0] =	vst v42;
	v54 =	vadd.s32 v14, v36;
	v53 =	vld.idx.msk [tilespmem:v56+s11+$0x0], $0xffff  }
0xcf: {  	v41 =	vld.idx.msk [tilespmem:v63+s11+$0x0], $0xffff;
	[tilespmem:s25+$0xFFFFFFB0] =	vst v58  }
0xd0: {  	v55 =	vadd.s32 v14, v35;
	[tilespmem:s25+$0xB0] =	vst v57;
	v39 =	vld.idx.msk [tilespmem:v61+s11+$0x0], $0xffff  }
0xd1: {  	[tilespmem:s21+$0xC0] =	vst v60;
	v56 =	vld.idx.msk [tilespmem:v59+s11+$0x0], $0xffff;
	v59 =	vadd.s32 v14, v37  }
0xd2: {  	v58 =	vld.idx.msk [tilespmem:v62+s11+$0x0], $0xffff;
	[tilespmem:s23+$0xC0] =	vst v52;
	v57 =	vadd.s32 v14, v38  }
0xd3: {  	[tilespmem:s22+$0xF0] =	vst v40;
	v62 =	vld.idx.msk [tilespmem:v54+s11+$0x0], $0xffff;
	v61 =	vadd.s32 v15, v33  }
0xd4: {  	v63 =	vadd.s32 v15, v36;
	[tilespmem:s23+$0xFFFFFFC0] =	vst v53  }
0xd5: {  	v60 =	vadd.s32 v15, v34;
	v43 =	vld.idx.msk [tilespmem:v55+s11+$0x0], $0xffff;
	[tilespmem:s25+$0xFFFFFFC0] =	vst v39  }
0xd6: {  	v51 =	vadd.s32 v15, v35;
	[tilespmem:s25+$0xC0] =	vst v56;
	v54 =	vld.idx.msk [tilespmem:v59+s11+$0x0], $0xffff  }
0xd7: {  	[tilespmem:s21+$0xFFFFFFD0] =	vst v41;
	v56 =	vadd.s32 v15, v37;
	v52 =	vld.idx.msk [tilespmem:v57+s11+$0x0], $0xffff  }
0xd8: {  	v53 =	vadd.s32 v15, v38;
	[tilespmem:s23+$0xD0] =	vst v62;
	v46 =	vld.idx.msk [tilespmem:v61+s11+$0x0], $0xffff  }
0xd9: {  	[tilespmem:s21+$0xD0] =	vst v58;
	v58 =	vadd.s32 v16, v33;
	v47 =	vld.idx.msk [tilespmem:v63+s11+$0x0], $0xffff  }
0xda: {  	v55 =	vld.idx.msk [tilespmem:v60+s11+$0x0], $0xffff;
	[tilespmem:s23+$0xFFFFFFD0] =	vst v43;
	v59 =	vadd.s32 v16, v36  }
0xdb: {  	v40 =	vld.idx.msk [tilespmem:v51+s11+$0x0], $0xffff;
	v57 =	vadd.s32 v16, v34;
	[tilespmem:s25+$0xFFFFFFD0] =	vst v54  }
0xdc: {  	v60 =	vadd.s32 v16, v35;
	[tilespmem:s25+$0xD0] =	vst v52;
	v41 =	vld.idx.msk [tilespmem:v56+s11+$0x0], $0xffff  }
0xdd: {  	v62 =	vadd.s32 v16, v37;
	[tilespmem:s21+$0xFFFFFFE0] =	vst v46;
	v39 =	vld.idx.msk [tilespmem:v53+s11+$0x0], $0xffff  }
0xde: {  	v61 =	vadd.s32 v16, v38;
	[tilespmem:s23+$0xE0] =	vst v47;
	v33 =	vld.idx.msk [tilespmem:v58+s11+$0x0], $0xffff  }
0xdf: {  	[tilespmem:s21+$0xE0] =	vst v55;
	v36 =	vld.idx.msk [tilespmem:v59+s11+$0x0], $0xffff  }
0xe0: {  	[tilespmem:s23+$0xFFFFFFE0] =	vst v40;
	v34 =	vld.idx.msk [tilespmem:v57+s11+$0x0], $0xffff  }
0xe1: {  	v35 =	vld.idx.msk [tilespmem:v60+s11+$0x0], $0xffff;
	[tilespmem:s25+$0xFFFFFFE0] =	vst v41  }
0xe2: {  	[tilespmem:s25+$0xE0] =	vst v39;
	v63 =	vld.idx.msk [tilespmem:v62+s11+$0x0], $0xffff  }
0xe3: {  	[tilespmem:s21+$0xFFFFFFF0] =	vst v33;
	v38 =	vld.idx.msk [tilespmem:v61+s11+$0x0], $0xffff  }
0xe4: {  	[tilespmem:s23+$0xF0] =	vst v36  }
0xe5: {  	[tilespmem:s21+$0xF0] =	vst v34  }
0xe6: {  	[tilespmem:s23+$0xFFFFFFF0] =	vst v35  }
0xe7: {  	[tilespmem:s25+$0xFFFFFFF0] =	vst v63  }
0xe8: {  	[tilespmem:s25+$0xF0] =	vst v38  }
0xe9: {  	v33 =	vld.idx.msk [tilespmem:v17+s11+$0x0], $0xffff;
	_ =	sdelay $0x4  }
0xea: {  	[tilespmem:$0x17C40] =	vst v33  }
0xeb: {  	v33 =	vld.idx.msk [tilespmem:v18+s11+$0x0], $0xffff;
	_ =	sdelay $0x4  }
0xec: {  	[tilespmem:$0x17C50] =	vst v33  }
0xed: {  	v33 =	vld.idx.msk [tilespmem:v19+s11+$0x0], $0xffff;
	_ =	sdelay $0x4  }
0xee: {  	[tilespmem:$0x17C60] =	vst v33  }
0xef: {  	v33 =	vld.idx.msk [tilespmem:v20+s11+$0x0], $0xffff;
	_ =	sdelay $0x4  }
0xf0: {  	[tilespmem:$0x17C70] =	vst v33  }
0xf1: {  	v33 =	vld.idx.msk [tilespmem:v21+s11+$0x0], $0xffff;
	_ =	sdelay $0x4  }
0xf2: {  	[tilespmem:$0x17C80] =	vst v33  }
0xf3: {  	v33 =	vld.idx.msk [tilespmem:v22+s11+$0x0], $0xffff;
	_ =	sdelay $0x4  }
0xf4: {  	[tilespmem:$0x17C90] =	vst v33  }
0xf5: {  	v33 =	vld.idx.msk [tilespmem:v23+s11+$0x0], $0xffff;
	_ =	sdelay $0x4  }
0xf6: {  	[tilespmem:$0x17CA0] =	vst v33  }
0xf7: {  	v33 =	vld.idx.msk [tilespmem:v24+s11+$0x0], $0xffff;
	_ =	sdelay $0x4  }
0xf8: {  	[tilespmem:$0x17CB0] =	vst v33  }
0xf9: {  	v33 =	vld.idx.msk [tilespmem:v25+s11+$0x0], $0xffff;
	_ =	sdelay $0x4  }
0xfa: {  	[tilespmem:$0x17CC0] =	vst v33  }
0xfb: {  	v33 =	vld.idx.msk [tilespmem:v26+s11+$0x0], $0xffff;
	_ =	sdelay $0x4  }
0xfc: {  	[tilespmem:$0x17CD0] =	vst v33  }
0xfd: {  	v33 =	vld.idx.msk [tilespmem:v27+s11+$0x0], $0xffff;
	_ =	sdelay $0x4  }
0xfe: {  	[tilespmem:$0x17CE0] =	vst v33  }
0xff: {  	v33 =	vld.idx.msk [tilespmem:v28+s11+$0x0], $0xffff;
	_ =	sdelay $0x4  }
0x100: {  	[tilespmem:$0x17CF0] =	vst v33  }
0x101: {  	v33 =	vld.idx.msk [tilespmem:v29+s11+$0x0], $0xffff;
	_ =	sdelay $0x4  }
0x102: {  	[tilespmem:$0x17D00] =	vst v33  }
0x103: {  	v33 =	vld.idx.msk [tilespmem:v30+s11+$0x0], $0xffff;
	_ =	sdelay $0x4  }
0x104: {  	[tilespmem:$0x17D10] =	vst v33  }
0x105: {  	v33 =	vld.idx.msk [tilespmem:v31+s11+$0x0], $0xffff;
	_ =	sdelay $0x4  }
0x106: {  	[tilespmem:$0x17D20] =	vst v33  }
0x107: {  	s31 =	smul.u32 $0x1F4000, s19;
	v33 =	vld.idx.msk [tilespmem:v32+s11+$0x0], $0xffff;
	_ =	sdelay $0x1  }
0x108: {  	s21 =	sor.u32 s7, s31  }
0x109: {  	s21 =	sshrl.u32 s21, $0x3  }
0x10a: {  	s21 =	sadd.s32 s2, s21  }
0x10b: {  	s22 =	simm.s32 $0x400;
	s23 =	simm.s32 $0x10040;
	s25 =	sadd.s32 $0x0, s21;
	[tilespmem:$0x17D30] =	vst v33  }
.LBB2_5:
0x10c: {  	[hbm4b:s25+s8] =	stream.strided.scatter [tilespmem:s23], [sflag:$0x3], $0x100, s14, s8, $0x38;
	[tilespmem:$0x1FA40] =	vst v63  }
0x10d: {  	s25 =	smov.u32 s22;
	p1 =	sne.s32 s22, $0x1F000  }
.Ltmp1:
0x10e: {  	s22 =	sadd.s32 $0x400, s22;
	(pc) =	sbr.rel @p1 .LBB2_5-.Ltmp1, $3  }
0x10f: {  	_ =	sdelay $0x1  }
0x110: {  	s23 =	sshra.s32 s25, $0x2  }
0x111: {  	s25 =	sadd.s32 s25, s21;
	s23 =	sadd.s32 $0x10040, s23  }
0x112: {  	s21 =	simm.s32 $0x0  }
0x113: {  	[hbm4b:s25+s8] =	stream.strided.scatter [tilespmem:s23], [sflag:$0x3], $0x100, s14, s8, $0x38;
	v33 =	vmov s21;
	[tilespmem:$0x1FA40] =	vst v63  }
0x114: {  	s22 =	simm.s32 $0x8;
	_ =	swait.ge [sflag:s15], $0x7D00;
	v33 =	vshrl.u32 v33, $0x3  }
0x115: {  	s21 =	sor.u32 $0x1, s24;
	v34 =	vmov s22;
	[sflag:s15] =	ssyncset.done $0x0;
	v33 =	vshll.u32 v33, v1  }
0x116: {  	p1 =	sgt.u32 s21, $0x30;
	v34 =	vshrl.u32 v34, $0x3;
	[sflag:s15] =	ssyncadd.s32 $0xFFFF8300;
	v39 =	vbroadcast v33, $0x0  }
0x117: {  	s20 =	sadd.s32 @!p1 $0x40, s20;
	s22 =	simm.s32 @!p1 $0x20;
	s23 =	simm.s32 @!p1 $0x640;
	v40 =	vshll.u32 v34, v1  }
0x118: {  	[tilespmem:s23], [sflag:$0x1] =	stream.indirect.gather @!p1 [hbm4b:s4+s22], $0x3E8, s20, s22, $0xb8;
	v40 =	vbroadcast v40, $0x0;
	v41 =	vadd.s32 v0, v39;
	[tilespmem:$0x1FA40] =	vst v63  }
0x119: {  	s20 =	simm.s32 @!p0 $0x4  }
0x11a: {  	_ =	swait.ge @!p0 [sflag:s20], $0x7D00;
	v42 =	vadd.s32 v0, v40  }
0x11b: {  	[sflag:s20] =	ssyncset.done @!p0 $0x0  }
0x11c: {  	[sflag:s20] =	ssyncadd.s32 @!p0 $0xFFFF8300  }
0x11d: {  	v33 =	vld.idx.msk [tilespmem:v41+s13+$0x0], $0xffff  }
0x11e: {  	v35 =	vadd.s32 v2, v39  }
0x11f: {  	v34 =	vld.idx.msk [tilespmem:v42+s13+$0x0], $0xffff  }
0x120: {  	v36 =	vadd.s32 v2, v40  }
0x121: {  	s22 =	simm.s32 $0x17E40  }
0x122: {  	[tilespmem:s22+$0xFFFFFF00] =	vst v33  }
0x123: {  	v33 =	vld.idx.msk [tilespmem:v35+s13+$0x0], $0xffff  }
0x124: {  	v43 =	vadd.s32 v3, v39;
	[tilespmem:s22+$0x0] =	vst v34  }
0x125: {  	v34 =	vld.idx.msk [tilespmem:v36+s13+$0x0], $0xffff  }
0x126: {  	v44 =	vadd.s32 v3, v40  }
0x127: {  	s25 =	simm.s32 $0x10  }
0x128: {  	s26 =	simm.s32 $0x18;
	v45 =	vmov s25;
	[tilespmem:s22+$0xFFFFFF10] =	vst v33  }
0x129: {  	v46 =	vmov s26;
	v33 =	vshrl.u32 v45, $0x3;
	v35 =	vld.idx.msk [tilespmem:v43+s13+$0x0], $0xffff  }
0x12a: {  	v37 =	vadd.s32 v4, v39;
	[tilespmem:s22+$0x10] =	vst v34;
	v34 =	vshrl.u32 v46, $0x3;
	v33 =	vshll.u32 v33, v1  }
0x12b: {  	v36 =	vld.idx.msk [tilespmem:v44+s13+$0x0], $0xffff;
	v34 =	vshll.u32 v34, v1;
	v33 =	vbroadcast v33, $0x0  }
0x12c: {  	v38 =	vadd.s32 v4, v40;
	v34 =	vbroadcast v34, $0x0  }
0x12d: {  	v47 =	vadd.s32 v0, v33  }
0x12e: {  	v41 =	vadd.s32 v0, v34;
	[tilespmem:s22+$0xFFFFFF20] =	vst v35  }
0x12f: {  	v37 =	vld.idx.msk [tilespmem:v37+s13+$0x0], $0xffff  }
0x130: {  	v48 =	vadd.s32 v5, v39;
	[tilespmem:s22+$0x20] =	vst v36  }
0x131: {  	v38 =	vld.idx.msk [tilespmem:v38+s13+$0x0], $0xffff  }
0x132: {  	v42 =	vadd.s32 v5, v40;
	v35 =	vld.idx.msk [tilespmem:v47+s13+$0x0], $0xffff  }
0x133: {  	v49 =	vadd.s32 v2, v33;
	v41 =	vld.idx.msk [tilespmem:v41+s13+$0x0], $0xffff  }
0x134: {  	v43 =	vadd.s32 v2, v34;
	[tilespmem:s22+$0xFFFFFF30] =	vst v37  }
0x135: {  	v36 =	vld.idx.msk [tilespmem:v48+s13+$0x0], $0xffff  }
0x136: {  	v50 =	vadd.s32 v6, v39;
	s20 =	simm.s32 $0x18040;
	[tilespmem:s22+$0x30] =	vst v38  }
0x137: {  	v42 =	vld.idx.msk [tilespmem:v42+s13+$0x0], $0xffff;
	[tilespmem:s20+$0xFFFFFF00] =	vst v35  }
0x138: {  	v44 =	vadd.s32 v6, v40;
	[tilespmem:s20+$0x0] =	vst v41;
	v35 =	vld.idx.msk [tilespmem:v49+s13+$0x0], $0xffff  }
0x139: {  	v51 =	vadd.s32 v3, v33;
	v52 =	vld.idx.msk [tilespmem:v43+s13+$0x0], $0xffff  }
0x13a: {  	v53 =	vadd.s32 v3, v34;
	[tilespmem:s22+$0xFFFFFF40] =	vst v36  }
0x13b: {  	v38 =	vld.idx.msk [tilespmem:v50+s13+$0x0], $0xffff  }
0x13c: {  	v54 =	vadd.s32 v7, v39;
	[tilespmem:s22+$0x40] =	vst v42  }
0x13d: {  	v55 =	vld.idx.msk [tilespmem:v44+s13+$0x0], $0xffff;
	[tilespmem:s20+$0xFFFFFF10] =	vst v35  }
0x13e: {  	v56 =	vadd.s32 v7, v40;
	[tilespmem:s20+$0x10] =	vst v52;
	v35 =	vld.idx.msk [tilespmem:v51+s13+$0x0], $0xffff  }
0x13f: {  	v57 =	vadd.s32 v4, v33;
	v37 =	vld.idx.msk [tilespmem:v53+s13+$0x0], $0xffff  }
0x140: {  	v58 =	vadd.s32 v4, v34;
	[tilespmem:s22+$0xFFFFFF50] =	vst v38  }
0x141: {  	s28 =	simm.s32 $0x20;
	v38 =	vld.idx.msk [tilespmem:v54+s13+$0x0], $0xffff  }
0x142: {  	v61 =	vmov s28;
	v59 =	vadd.s32 v8, v39;
	[tilespmem:s22+$0x50] =	vst v55  }
0x143: {  	s29 =	simm.s32 $0x28;
	v43 =	vld.idx.msk [tilespmem:v56+s13+$0x0], $0xffff;
	[tilespmem:s20+$0xFFFFFF20] =	vst v35;
	v35 =	vshrl.u32 v61, $0x3  }
0x144: {  	v62 =	vmov s29;
	v60 =	vadd.s32 v8, v40;
	[tilespmem:s20+$0x20] =	vst v37;
	v45 =	vld.idx.msk [tilespmem:v57+s13+$0x0], $0xffff;
	v35 =	vshll.u32 v35, v1  }
0x145: {  	v63 =	vadd.s32 v5, v33;
	v36 =	vshrl.u32 v62, $0x3;
	v48 =	vld.idx.msk [tilespmem:v58+s13+$0x0], $0xffff;
	v35 =	vbroadcast v35, $0x0  }
0x146: {  	v50 =	vadd.s32 v5, v34;
	v36 =	vshll.u32 v36, v1;
	[tilespmem:s22+$0xFFFFFF60] =	vst v38  }
0x147: {  	v36 =	vbroadcast v36, $0x0;
	v46 =	vadd.s32 v0, v35;
	v49 =	vld.idx.msk [tilespmem:v59+s13+$0x0], $0xffff  }
0x148: {  	v51 =	vadd.s32 v9, v39;
	[tilespmem:s22+$0x60] =	vst v43  }
0x149: {  	v52 =	vadd.s32 v0, v36;
	v44 =	vld.idx.msk [tilespmem:v60+s13+$0x0], $0xffff;
	[tilespmem:s20+$0xFFFFFF30] =	vst v45  }
0x14a: {  	v47 =	vadd.s32 v9, v40;
	[tilespmem:s20+$0x30] =	vst v48;
	v37 =	vld.idx.msk [tilespmem:v63+s13+$0x0], $0xffff  }
0x14b: {  	v53 =	vadd.s32 v6, v33;
	v54 =	vld.idx.msk [tilespmem:v50+s13+$0x0], $0xffff  }
0x14c: {  	v56 =	vadd.s32 v6, v34;
	v46 =	vld.idx.msk [tilespmem:v46+s13+$0x0], $0xffff;
	[tilespmem:s22+$0xFFFFFF70] =	vst v49  }
0x14d: {  	v48 =	vadd.s32 v2, v35;
	v55 =	vld.idx.msk [tilespmem:v51+s13+$0x0], $0xffff  }
0x14e: {  	v57 =	vadd.s32 v10, v39;
	v45 =	vld.idx.msk [tilespmem:v52+s13+$0x0], $0xffff;
	[tilespmem:s22+$0x70] =	vst v44  }
0x14f: {  	v58 =	vadd.s32 v2, v36;
	v47 =	vld.idx.msk [tilespmem:v47+s13+$0x0], $0xffff;
	[tilespmem:s20+$0xFFFFFF40] =	vst v37  }
0x150: {  	s23 =	simm.s32 $0x18240;
	v49 =	vadd.s32 v10, v40;
	[tilespmem:s20+$0x40] =	vst v54;
	v37 =	vld.idx.msk [tilespmem:v53+s13+$0x0], $0xffff  }
0x151: {  	v59 =	vadd.s32 v7, v33;
	v60 =	vld.idx.msk [tilespmem:v56+s13+$0x0], $0xffff;
	[tilespmem:s23+$0xFFFFFF00] =	vst v46  }
0x152: {  	v62 =	vadd.s32 v7, v34;
	v52 =	vld.idx.msk [tilespmem:v48+s13+$0x0], $0xffff;
	[tilespmem:s22+$0xFFFFFF80] =	vst v55  }
0x153: {  	[tilespmem:s23+$0x0] =	vst v45;
	v54 =	vadd.s32 v3, v35;
	v61 =	vld.idx.msk [tilespmem:v57+s13+$0x0], $0xffff  }
0x154: {  	v63 =	vadd.s32 v11, v39;
	v38 =	vld.idx.msk [tilespmem:v58+s13+$0x0], $0xffff;
	[tilespmem:s22+$0x80] =	vst v47  }
0x155: {  	v53 =	vld.idx.msk [tilespmem:v49+s13+$0x0], $0xffff;
	[tilespmem:s20+$0xFFFFFF50] =	vst v37  }
0x156: {  	v55 =	vadd.s32 v11, v40;
	[tilespmem:s20+$0x50] =	vst v60;
	v37 =	vld.idx.msk [tilespmem:v59+s13+$0x0], $0xffff  }
0x157: {  	v56 =	vadd.s32 v3, v36;
	v58 =	vld.idx.msk [tilespmem:v62+s13+$0x0], $0xffff;
	[tilespmem:s23+$0xFFFFFF10] =	vst v52  }
0x158: {  	v57 =	vadd.s32 v8, v33;
	v62 =	vld.idx.msk [tilespmem:v54+s13+$0x0], $0xffff;
	[tilespmem:s22+$0xFFFFFF90] =	vst v61  }
0x159: {  	[tilespmem:s23+$0x10] =	vst v38;
	v60 =	vadd.s32 v8, v34;
	v59 =	vld.idx.msk [tilespmem:v63+s13+$0x0], $0xffff  }
0x15a: {  	[tilespmem:s22+$0x90] =	vst v53;
	v63 =	vadd.s32 v4, v35  }
0x15b: {  	v61 =	vadd.s32 v12, v39;
	v45 =	vld.idx.msk [tilespmem:v55+s13+$0x0], $0xffff;
	[tilespmem:s20+$0xFFFFFF60] =	vst v37  }
0x15c: {  	v38 =	vld.idx.msk [tilespmem:v56+s13+$0x0], $0xffff;
	v52 =	vadd.s32 v12, v40;
	[tilespmem:s20+$0x60] =	vst v58  }
0x15d: {  	v53 =	vld.idx.msk [tilespmem:v57+s13+$0x0], $0xffff;
	v57 =	vadd.s32 v4, v36;
	[tilespmem:s23+$0xFFFFFF20] =	vst v62  }
0x15e: {  	v58 =	vadd.s32 v9, v33;
	[tilespmem:s22+$0xFFFFFFA0] =	vst v59;
	v59 =	vld.idx.msk [tilespmem:v60+s13+$0x0], $0xffff  }
0x15f: {  	s30 =	simm.s32 $0x30;
	v60 =	vadd.s32 v9, v34;
	v62 =	vld.idx.msk [tilespmem:v63+s13+$0x0], $0xffff  }
0x160: {  	s31 =	simm.s32 $0x38;
	v55 =	vadd.s32 v5, v35;
	[tilespmem:s22+$0xA0] =	vst v45;
	v47 =	vld.idx.msk [tilespmem:v61+s13+$0x0], $0xffff;
	v61 =	vmov s30  }
0x161: {  	v56 =	vmov s31;
	[tilespmem:s23+$0x20] =	vst v38;
	v63 =	vadd.s32 v13, v39;
	v50 =	vld.idx.msk [tilespmem:v52+s13+$0x0], $0xffff;
	v48 =	vshrl.u32 v61, $0x3  }
0x162: {  	v38 =	vshrl.u32 v56, $0x3;
	v42 =	vld.idx.msk [tilespmem:v57+s13+$0x0], $0xffff;
	[tilespmem:s20+$0xFFFFFF70] =	vst v53;
	v57 =	vadd.s32 v13, v40;
	v54 =	vshll.u32 v48, v1  }
0x163: {  	v51 =	vadd.s32 v5, v36;
	v38 =	vshll.u32 v38, v1;
	v43 =	vld.idx.msk [tilespmem:v58+s13+$0x0], $0xffff;
	v37 =	vbroadcast v54, $0x0;
	[tilespmem:s20+$0x70] =	vst v59  }
0x164: {  	v38 =	vbroadcast v38, $0x0;
	[tilespmem:s23+$0xFFFFFF30] =	vst v62;
	v59 =	vadd.s32 v10, v33;
	v46 =	vld.idx.msk [tilespmem:v60+s13+$0x0], $0xffff  }
0x165: {  	[tilespmem:s22+$0xFFFFFFB0] =	vst v47;
	v58 =	vadd.s32 v0, v37;
	v48 =	vld.idx.msk [tilespmem:v55+s13+$0x0], $0xffff  }
0x166: {  	v61 =	vadd.s32 v0, v38;
	[tilespmem:s22+$0xB0] =	vst v50;
	v47 =	vld.idx.msk [tilespmem:v63+s13+$0x0], $0xffff  }
0x167: {  	v60 =	vadd.s32 v10, v34;
	[tilespmem:s23+$0x30] =	vst v42;
	v41 =	vld.idx.msk [tilespmem:v57+s13+$0x0], $0xffff  }
0x168: {  	v62 =	vadd.s32 v6, v35;
	v51 =	vld.idx.msk [tilespmem:v51+s13+$0x0], $0xffff;
	[tilespmem:s20+$0xFFFFFF80] =	vst v43  }
0x169: {  	v56 =	vadd.s32 v14, v40;
	v45 =	vld.idx.msk [tilespmem:v59+s13+$0x0], $0xffff  }
0x16a: {  	v52 =	vadd.s32 v6, v36;
	v63 =	vld.idx.msk [tilespmem:v58+s13+$0x0], $0xffff;
	[tilespmem:s20+$0x80] =	vst v46  }
0x16b: {  	v59 =	vadd.s32 v11, v33;
	v58 =	vld.idx.msk [tilespmem:v61+s13+$0x0], $0xffff;
	[tilespmem:s23+$0xFFFFFF40] =	vst v48  }
0x16c: {  	v57 =	vadd.s32 v2, v37;
	v49 =	vld.idx.msk [tilespmem:v60+s13+$0x0], $0xffff;
	[tilespmem:s22+$0xFFFFFFC0] =	vst v47  }
0x16d: {  	v61 =	vadd.s32 v2, v38;
	v42 =	vld.idx.msk [tilespmem:v62+s13+$0x0], $0xffff;
	[tilespmem:s22+$0xC0] =	vst v41  }
0x16e: {  	v60 =	vadd.s32 v11, v34;
	[tilespmem:s23+$0x40] =	vst v51;
	v44 =	vld.idx.msk [tilespmem:v56+s13+$0x0], $0xffff  }
0x16f: {  	s24 =	simm.s32 $0x18440;
	v62 =	vadd.s32 v7, v35;
	v51 =	vld.idx.msk [tilespmem:v52+s13+$0x0], $0xffff;
	[tilespmem:s20+$0xFFFFFF90] =	vst v45  }
0x170: {  	v55 =	vadd.s32 v7, v36;
	[tilespmem:s24+$0xFFFFFF00] =	vst v63;
	v48 =	vld.idx.msk [tilespmem:v59+s13+$0x0], $0xffff  }
0x171: {  	v63 =	vadd.s32 v14, v39;
	[tilespmem:s24+$0x0] =	vst v58;
	v46 =	vld.idx.msk [tilespmem:v57+s13+$0x0], $0xffff  }
0x172: {  	v58 =	vadd.s32 v15, v40;
	[tilespmem:s20+$0x90] =	vst v49;
	v41 =	vld.idx.msk [tilespmem:v61+s13+$0x0], $0xffff  }
0x173: {  	v56 =	vadd.s32 v3, v37;
	[tilespmem:s23+$0xFFFFFF50] =	vst v42;
	v47 =	vld.idx.msk [tilespmem:v60+s13+$0x0], $0xffff  }
0x174: {  	v57 =	vadd.s32 v12, v33;
	v43 =	vld.idx.msk [tilespmem:v62+s13+$0x0], $0xffff;
	[tilespmem:s23+$0x50] =	vst v51  }
0x175: {  	v59 =	vadd.s32 v3, v38;
	[tilespmem:s22+$0xD0] =	vst v44;
	v45 =	vld.idx.msk [tilespmem:v55+s13+$0x0], $0xffff  }
0x176: {  	v61 =	vadd.s32 v8, v35;
	v60 =	vld.idx.msk [tilespmem:v63+s13+$0x0], $0xffff;
	[tilespmem:s20+$0xFFFFFFA0] =	vst v48  }
0x177: {  	v63 =	vadd.s32 v8, v36;
	v44 =	vld.idx.msk [tilespmem:v58+s13+$0x0], $0xffff;
	[tilespmem:s24+$0xFFFFFF10] =	vst v46  }
0x178: {  	v62 =	vadd.s32 v15, v39;
	[tilespmem:s24+$0x10] =	vst v41;
	v53 =	vld.idx.msk [tilespmem:v56+s13+$0x0], $0xffff  }
0x179: {  	v55 =	vadd.s32 v4, v37;
	v54 =	vld.idx.msk [tilespmem:v57+s13+$0x0], $0xffff;
	[tilespmem:s23+$0xFFFFFF60] =	vst v43  }
0x17a: {  	v49 =	vld.idx.msk [tilespmem:v59+s13+$0x0], $0xffff;
	[tilespmem:s23+$0x60] =	vst v45;
	v45 =	vadd.s32 v12, v34  }
0x17b: {  	v40 =	vadd.s32 v16, v40;
	[tilespmem:s20+$0xA0] =	vst v47;
	v46 =	vld.idx.msk [tilespmem:v61+s13+$0x0], $0xffff  }
0x17c: {  	v51 =	vadd.s32 v4, v38;
	[tilespmem:s22+$0xFFFFFFD0] =	vst v60;
	v47 =	vld.idx.msk [tilespmem:v63+s13+$0x0], $0xffff  }
0x17d: {  	v42 =	vadd.s32 v9, v36;
	v48 =	vadd.s32 v9, v35;
	v43 =	vld.idx.msk [tilespmem:v62+s13+$0x0], $0xffff;
	[tilespmem:s24+$0xFFFFFF20] =	vst v53  }
0x17e: {  	s25 =	simm.s32 $0x6;
	s26 =	simm.s32 $0x40;
	v39 =	vadd.s32 v16, v39;
	v41 =	vadd.s32 v9, v38;
	[tilespmem:s20+$0xFFFFFFB0] =	vst v54;
	v50 =	vld.idx.msk [tilespmem:v55+s13+$0x0], $0xffff  }
.LBB2_7:
0x17f: {  	v52 =	vmov s26;
	s28 =	sadd.s32 $0x8, s26;
	s25 =	sadd.s32 $0x2, s25;
	v45 =	vld.idx.msk [tilespmem:v45+s13+$0x0], $0xffff;
	[tilespmem:s22+$0xE0] =	vst v44  }
0x180: {  	v44 =	vshrl.u32 v52, $0x3;
	v52 =	vmov s28;
	p0 =	slt.u32 s25, $0x7A;
	[tilespmem:s24+$0x20] =	vst v49;
	v49 =	vadd.s32 v13, v33;
	v40 =	vld.idx.msk [tilespmem:v40+s13+$0x0], $0xffff  }
0x181: {  	v53 =	vadd.s32 v5, v37;
	v44 =	vshll.u32 v44, v1;
	v52 =	vshrl.u32 v52, $0x3;
	v51 =	vld.idx.msk [tilespmem:v51+s13+$0x0], $0xffff;
	[tilespmem:s23+$0xFFFFFF70] =	vst v46  }
0x182: {  	v44 =	vbroadcast v44, $0x0;
	v46 =	vshll.u32 v52, v1;
	v48 =	vld.idx.msk [tilespmem:v48+s13+$0x0], $0xffff;
	v52 =	vadd.s32 v13, v34;
	[tilespmem:s22+$0xFFFFFFE0] =	vst v43  }
0x183: {  	v43 =	vbroadcast v46, $0x0;
	v46 =	vadd.s32 v5, v38;
	[tilespmem:s23+$0x70] =	vst v47;
	v39 =	vld.idx.msk [tilespmem:v39+s13+$0x0], $0xffff  }
0x184: {  	v47 =	vadd.s32 v0, v44;
	[tilespmem:s24+$0xFFFFFF30] =	vst v50;
	v50 =	vadd.s32 v10, v35;
	v54 =	vld.idx.msk [tilespmem:v42+s13+$0x0], $0xffff;
	v42 =	vmov v41  }
0x185: {  	v55 =	vadd.s32 v0, v43;
	v41 =	vadd.s32 v9, v43;
	v49 =	vld.idx.msk [tilespmem:v49+s13+$0x0], $0xffff;
	[tilespmem:s20+$0xB0] =	vst v45  }
0x186: {  	v45 =	vld.idx.msk [tilespmem:v53+s13+$0x0], $0xffff;
	v53 =	vadd.s32 v10, v36;
	[tilespmem:s22+$0xF0] =	vst v40  }
0x187: {  	[tilespmem:s24+$0x30] =	vst v51;
	v40 =	vld.idx.msk [tilespmem:v52+s13+$0x0], $0xffff  }
0x188: {  	v51 =	vadd.s32 v6, v37;
	v46 =	vld.idx.msk [tilespmem:v46+s13+$0x0], $0xffff;
	[tilespmem:s23+$0xFFFFFF80] =	vst v48  }
0x189: {  	v48 =	vadd.s32 v14, v34;
	v47 =	vld.idx.msk [tilespmem:v47+s13+$0x0], $0xffff;
	[tilespmem:s22+$0xFFFFFFF0] =	vst v39;
	s22 =	smov.u32 s20;
	s20 =	smov.u32 s23;
	s23 =	smov.u32 s24  }
0x18a: {  	v39 =	vadd.s32 v6, v38;
	v50 =	vld.idx.msk [tilespmem:v50+s13+$0x0], $0xffff;
	[tilespmem:s20+$0x80] =	vst v54  }
0x18b: {  	v52 =	vadd.s32 v2, v44;
	v53 =	vld.idx.msk [tilespmem:v53+s13+$0x0], $0xffff;
	[tilespmem:s22+$0xFFFFFFC0] =	vst v49  }
0x18c: {  	v49 =	vld.idx.msk [tilespmem:v55+s13+$0x0], $0xffff;
	[tilespmem:s24+$0xFFFFFF40] =	vst v45;
	v45 =	vadd.s32 v11, v35  }
0x18d: {  	v54 =	vadd.s32 v11, v36;
	v51 =	vld.idx.msk [tilespmem:v51+s13+$0x0], $0xffff;
	[tilespmem:s22+$0xC0] =	vst v40  }
0x18e: {  	s24 =	sadd.s32 $0x200, s24;
	v40 =	vadd.s32 v2, v43;
	[tilespmem:s23+$0x40] =	vst v46;
	v46 =	vld.idx.msk [tilespmem:v48+s13+$0x0], $0xffff  }
0x18f: {  	v48 =	vadd.s32 v14, v33;
	[tilespmem:s24+$0xFFFFFF00] =	vst v47;
	v47 =	vadd.s32 v7, v37;
	v39 =	vld.idx.msk [tilespmem:v39+s13+$0x0], $0xffff  }
0x190: {  	v52 =	vld.idx.msk [tilespmem:v52+s13+$0x0], $0xffff;
	[tilespmem:s20+$0xFFFFFF90] =	vst v50;
	v50 =	vadd.s32 v15, v33  }
0x191: {  	v55 =	vadd.s32 v7, v38;
	v45 =	vld.idx.msk [tilespmem:v45+s13+$0x0], $0xffff;
	[tilespmem:s20+$0x90] =	vst v53  }
0x192: {  	v53 =	vadd.s32 v3, v44;
	[tilespmem:s24+$0x0] =	vst v49;
	v49 =	vld.idx.msk [tilespmem:v54+s13+$0x0], $0xffff  }
0x193: {  	v40 =	vld.idx.msk [tilespmem:v40+s13+$0x0], $0xffff;
	[tilespmem:s23+$0xFFFFFF50] =	vst v51;
	v51 =	vadd.s32 v12, v35  }
0x194: {  	v47 =	vld.idx.msk [tilespmem:v47+s13+$0x0], $0xffff;
	[tilespmem:s22+$0xD0] =	vst v46;
	v46 =	vadd.s32 v15, v34  }
0x195: {  	v54 =	vadd.s32 v3, v43;
	[tilespmem:s23+$0x50] =	vst v39;
	v48 =	vld.idx.msk [tilespmem:v48+s13+$0x0], $0xffff  }
0x196: {  	[tilespmem:s24+$0xFFFFFF10] =	vst v52;
	v52 =	vadd.s32 v8, v37;
	v55 =	vld.idx.msk [tilespmem:v55+s13+$0x0], $0xffff  }
0x197: {  	v39 =	vadd.s32 v16, v33;
	v33 =	vmovc v35;
	v35 =	vmov v37;
	v37 =	vmov v44;
	v53 =	vld.idx.msk [tilespmem:v53+s13+$0x0], $0xffff;
	[tilespmem:s20+$0xFFFFFFA0] =	vst v45  }
0x198: {  	v56 =	vadd.s32 v8, v38;
	v57 =	vld.idx.msk [tilespmem:v51+s13+$0x0], $0xffff;
	[tilespmem:s20+$0xA0] =	vst v49  }
0x199: {  	v58 =	vadd.s32 v4, v37;
	[tilespmem:s24+$0x10] =	vst v40;
	v44 =	vld.idx.msk [tilespmem:v46+s13+$0x0], $0xffff  }
.Ltmp2:
0x19a: {  	v45 =	vadd.s32 v12, v36;
	v49 =	vld.idx.msk [tilespmem:v54+s13+$0x0], $0xffff;
	[tilespmem:s23+$0xFFFFFF60] =	vst v47;
	(pc) =	sbr.rel @p0 .LBB2_7-.Ltmp2, $4  }
0x19b: {  	v40 =	vadd.s32 v16, v34;
	v34 =	vmovc v36;
	v36 =	vmov v38;
	v38 =	vmov v43;
	v46 =	vld.idx.msk [tilespmem:v52+s13+$0x0], $0xffff;
	[tilespmem:s22+$0xFFFFFFD0] =	vst v48  }
0x19c: {  	v51 =	vadd.s32 v4, v38;
	[tilespmem:s23+$0x60] =	vst v55;
	v43 =	vld.idx.msk [tilespmem:v50+s13+$0x0], $0xffff  }
0x19d: {  	v48 =	vadd.s32 v9, v35;
	[tilespmem:s24+$0xFFFFFF20] =	vst v53;
	v47 =	vld.idx.msk [tilespmem:v56+s13+$0x0], $0xffff  }
0x19e: {  	s26 =	sadd.s32 $0x10, s26;
	v50 =	vld.idx.msk [tilespmem:v58+s13+$0x0], $0xffff;
	[tilespmem:s20+$0xFFFFFFB0] =	vst v57  }
0x19f: {  	_ =	sdelay $0x2  }
0x1a0: {  	[tilespmem:s24+$0x20] =	vst v49  }
0x1a1: {  	v52 =	vadd.s32 v5, v37;
	v49 =	vld.idx.msk [tilespmem:v51+s13+$0x0], $0xffff  }
0x1a2: {  	v59 =	vadd.s32 v5, v38;
	_ =	sdelay $0x2  }
0x1a3: {  	[tilespmem:s24+$0xFFFFFF30] =	vst v50  }
0x1a4: {  	v50 =	vld.idx.msk [tilespmem:v52+s13+$0x0], $0xffff;
	[tilespmem:s24+$0x30] =	vst v49  }
0x1a5: {  	v61 =	vadd.s32 v6, v37;
	v49 =	vld.idx.msk [tilespmem:v59+s13+$0x0], $0xffff  }
0x1a6: {  	v60 =	vadd.s32 v6, v38;
	_ =	sdelay $0x2  }
0x1a7: {  	[tilespmem:s24+$0xFFFFFF40] =	vst v50  }
0x1a8: {  	v50 =	vld.idx.msk [tilespmem:v61+s13+$0x0], $0xffff;
	[tilespmem:s24+$0x40] =	vst v49  }
0x1a9: {  	v63 =	vadd.s32 v7, v37;
	v49 =	vld.idx.msk [tilespmem:v60+s13+$0x0], $0xffff  }
0x1aa: {  	v62 =	vadd.s32 v7, v38;
	_ =	sdelay $0x2  }
0x1ab: {  	[tilespmem:s24+$0xFFFFFF50] =	vst v50  }
0x1ac: {  	v50 =	vld.idx.msk [tilespmem:v63+s13+$0x0], $0xffff;
	[tilespmem:s24+$0x50] =	vst v49  }
0x1ad: {  	v57 =	vadd.s32 v8, v37;
	v49 =	vld.idx.msk [tilespmem:v62+s13+$0x0], $0xffff  }
0x1ae: {  	v56 =	vadd.s32 v8, v38;
	_ =	sdelay $0x2  }
0x1af: {  	[tilespmem:s24+$0xFFFFFF60] =	vst v50  }
0x1b0: {  	v50 =	vld.idx.msk [tilespmem:v57+s13+$0x0], $0xffff;
	[tilespmem:s24+$0x60] =	vst v49  }
0x1b1: {  	v58 =	vadd.s32 v9, v37;
	v49 =	vld.idx.msk [tilespmem:v56+s13+$0x0], $0xffff  }
0x1b2: {  	[tilespmem:s23+$0x70] =	vst v47  }
0x1b3: {  	[tilespmem:s23+$0xFFFFFF70] =	vst v46;
	v42 =	vld.idx.msk [tilespmem:v42+s13+$0x0], $0xffff  }
0x1b4: {  	v46 =	vld.idx.msk [tilespmem:v48+s13+$0x0], $0xffff;
	v59 =	vadd.s32 v10, v36  }
0x1b5: {  	v60 =	vadd.s32 v10, v35;
	[tilespmem:s24+$0xFFFFFF70] =	vst v50  }
0x1b6: {  	v61 =	vld.idx.msk [tilespmem:v58+s13+$0x0], $0xffff;
	[tilespmem:s24+$0x70] =	vst v49  }
0x1b7: {  	v63 =	vadd.s32 v10, v37;
	v41 =	vld.idx.msk [tilespmem:v41+s13+$0x0], $0xffff  }
0x1b8: {  	[tilespmem:s23+$0x80] =	vst v42;
	v62 =	vadd.s32 v10, v38  }
0x1b9: {  	[tilespmem:s23+$0xFFFFFF80] =	vst v46;
	v42 =	vld.idx.msk [tilespmem:v59+s13+$0x0], $0xffff  }
0x1ba: {  	v53 =	vadd.s32 v11, v36;
	v46 =	vld.idx.msk [tilespmem:v60+s13+$0x0], $0xffff  }
0x1bb: {  	v54 =	vadd.s32 v11, v35;
	[tilespmem:s24+$0xFFFFFF80] =	vst v61  }
0x1bc: {  	v49 =	vld.idx.msk [tilespmem:v63+s13+$0x0], $0xffff;
	[tilespmem:s24+$0x80] =	vst v41  }
0x1bd: {  	v57 =	vadd.s32 v11, v37;
	v55 =	vld.idx.msk [tilespmem:v62+s13+$0x0], $0xffff  }
0x1be: {  	v45 =	vld.idx.msk [tilespmem:v45+s13+$0x0], $0xffff;
	[tilespmem:s23+$0x90] =	vst v42;
	v56 =	vadd.s32 v11, v38  }
0x1bf: {  	v52 =	vadd.s32 v13, v33;
	v42 =	vld.idx.msk [tilespmem:v53+s13+$0x0], $0xffff;
	[tilespmem:s23+$0xFFFFFF90] =	vst v46  }
0x1c0: {  	[tilespmem:s22+$0xFFFFFFE0] =	vst v43;
	v58 =	vadd.s32 v12, v36;
	v41 =	vld.idx.msk [tilespmem:v54+s13+$0x0], $0xffff  }
0x1c1: {  	v39 =	vld.idx.msk [tilespmem:v39+s13+$0x0], $0xffff;
	v59 =	vadd.s32 v12, v35;
	[tilespmem:s24+$0xFFFFFF90] =	vst v49  }
0x1c2: {  	v63 =	vadd.s32 v13, v34;
	v60 =	vld.idx.msk [tilespmem:v57+s13+$0x0], $0xffff;
	[tilespmem:s24+$0x90] =	vst v55  }
0x1c3: {  	[tilespmem:s22+$0xE0] =	vst v44;
	v62 =	vadd.s32 v12, v37;
	v48 =	vld.idx.msk [tilespmem:v56+s13+$0x0], $0xffff  }
0x1c4: {  	[tilespmem:s23+$0xA0] =	vst v42;
	v42 =	vld.idx.msk [tilespmem:v52+s13+$0x0], $0xffff;
	v61 =	vadd.s32 v12, v38  }
0x1c5: {  	v53 =	vld.idx.msk [tilespmem:v58+s13+$0x0], $0xffff;
	[tilespmem:s23+$0xFFFFFFA0] =	vst v41  }
0x1c6: {  	[tilespmem:s20+$0xB0] =	vst v45;
	v54 =	vld.idx.msk [tilespmem:v59+s13+$0x0], $0xffff;
	v55 =	vadd.s32 v13, v36  }
0x1c7: {  	v56 =	vadd.s32 v13, v35;
	[tilespmem:s24+$0xFFFFFFA0] =	vst v60;
	v60 =	vld.idx.msk [tilespmem:v63+s13+$0x0], $0xffff  }
0x1c8: {  	v63 =	vadd.s32 v14, v33;
	v58 =	vld.idx.msk [tilespmem:v62+s13+$0x0], $0xffff;
	[tilespmem:s24+$0xA0] =	vst v48  }
0x1c9: {  	[tilespmem:s22+$0xFFFFFFF0] =	vst v39;
	v57 =	vld.idx.msk [tilespmem:v61+s13+$0x0], $0xffff;
	v61 =	vadd.s32 v13, v37  }
0x1ca: {  	v40 =	vld.idx.msk [tilespmem:v40+s13+$0x0], $0xffff;
	[tilespmem:s23+$0xB0] =	vst v53;
	v59 =	vadd.s32 v13, v38  }
0x1cb: {  	v62 =	vadd.s32 v14, v34;
	[tilespmem:s23+$0xFFFFFFB0] =	vst v54;
	v52 =	vld.idx.msk [tilespmem:v55+s13+$0x0], $0xffff  }
0x1cc: {  	[tilespmem:s20+$0xFFFFFFC0] =	vst v42;
	v54 =	vadd.s32 v14, v36;
	v53 =	vld.idx.msk [tilespmem:v56+s13+$0x0], $0xffff  }
0x1cd: {  	v41 =	vld.idx.msk [tilespmem:v63+s13+$0x0], $0xffff;
	[tilespmem:s24+$0xFFFFFFB0] =	vst v58  }
0x1ce: {  	v55 =	vadd.s32 v14, v35;
	[tilespmem:s24+$0xB0] =	vst v57;
	v39 =	vld.idx.msk [tilespmem:v61+s13+$0x0], $0xffff  }
0x1cf: {  	[tilespmem:s20+$0xC0] =	vst v60;
	v56 =	vld.idx.msk [tilespmem:v59+s13+$0x0], $0xffff;
	v59 =	vadd.s32 v14, v37  }
0x1d0: {  	v58 =	vld.idx.msk [tilespmem:v62+s13+$0x0], $0xffff;
	[tilespmem:s23+$0xC0] =	vst v52;
	v57 =	vadd.s32 v14, v38  }
0x1d1: {  	[tilespmem:s22+$0xF0] =	vst v40;
	v62 =	vld.idx.msk [tilespmem:v54+s13+$0x0], $0xffff;
	v61 =	vadd.s32 v15, v33  }
0x1d2: {  	v63 =	vadd.s32 v15, v36;
	[tilespmem:s23+$0xFFFFFFC0] =	vst v53  }
0x1d3: {  	v60 =	vadd.s32 v15, v34;
	v43 =	vld.idx.msk [tilespmem:v55+s13+$0x0], $0xffff;
	[tilespmem:s24+$0xFFFFFFC0] =	vst v39  }
0x1d4: {  	v51 =	vadd.s32 v15, v35;
	[tilespmem:s24+$0xC0] =	vst v56;
	v54 =	vld.idx.msk [tilespmem:v59+s13+$0x0], $0xffff  }
0x1d5: {  	[tilespmem:s20+$0xFFFFFFD0] =	vst v41;
	v56 =	vadd.s32 v15, v37;
	v52 =	vld.idx.msk [tilespmem:v57+s13+$0x0], $0xffff  }
0x1d6: {  	v53 =	vadd.s32 v15, v38;
	[tilespmem:s23+$0xD0] =	vst v62;
	v46 =	vld.idx.msk [tilespmem:v61+s13+$0x0], $0xffff  }
0x1d7: {  	[tilespmem:s20+$0xD0] =	vst v58;
	v58 =	vadd.s32 v16, v33;
	v47 =	vld.idx.msk [tilespmem:v63+s13+$0x0], $0xffff  }
0x1d8: {  	v55 =	vld.idx.msk [tilespmem:v60+s13+$0x0], $0xffff;
	[tilespmem:s23+$0xFFFFFFD0] =	vst v43;
	v59 =	vadd.s32 v16, v36  }
0x1d9: {  	v40 =	vld.idx.msk [tilespmem:v51+s13+$0x0], $0xffff;
	v57 =	vadd.s32 v16, v34;
	[tilespmem:s24+$0xFFFFFFD0] =	vst v54  }
0x1da: {  	v60 =	vadd.s32 v16, v35;
	[tilespmem:s24+$0xD0] =	vst v52;
	v41 =	vld.idx.msk [tilespmem:v56+s13+$0x0], $0xffff  }
0x1db: {  	v62 =	vadd.s32 v16, v37;
	[tilespmem:s20+$0xFFFFFFE0] =	vst v46;
	v39 =	vld.idx.msk [tilespmem:v53+s13+$0x0], $0xffff  }
0x1dc: {  	v61 =	vadd.s32 v16, v38;
	[tilespmem:s23+$0xE0] =	vst v47;
	v33 =	vld.idx.msk [tilespmem:v58+s13+$0x0], $0xffff  }
0x1dd: {  	[tilespmem:s20+$0xE0] =	vst v55;
	v36 =	vld.idx.msk [tilespmem:v59+s13+$0x0], $0xffff  }
0x1de: {  	[tilespmem:s23+$0xFFFFFFE0] =	vst v40;
	v34 =	vld.idx.msk [tilespmem:v57+s13+$0x0], $0xffff  }
0x1df: {  	v35 =	vld.idx.msk [tilespmem:v60+s13+$0x0], $0xffff;
	[tilespmem:s24+$0xFFFFFFE0] =	vst v41  }
0x1e0: {  	[tilespmem:s24+$0xE0] =	vst v39;
	v63 =	vld.idx.msk [tilespmem:v62+s13+$0x0], $0xffff  }
0x1e1: {  	[tilespmem:s20+$0xFFFFFFF0] =	vst v33;
	v38 =	vld.idx.msk [tilespmem:v61+s13+$0x0], $0xffff  }
0x1e2: {  	[tilespmem:s23+$0xF0] =	vst v36  }
0x1e3: {  	[tilespmem:s20+$0xF0] =	vst v34  }
0x1e4: {  	[tilespmem:s23+$0xFFFFFFF0] =	vst v35  }
0x1e5: {  	[tilespmem:s24+$0xFFFFFFF0] =	vst v63  }
0x1e6: {  	[tilespmem:s24+$0xF0] =	vst v38  }
0x1e7: {  	v33 =	vld.idx.msk [tilespmem:v17+s13+$0x0], $0xffff;
	_ =	sdelay $0x4  }
0x1e8: {  	[tilespmem:$0x1F940] =	vst v33  }
0x1e9: {  	v33 =	vld.idx.msk [tilespmem:v18+s13+$0x0], $0xffff;
	_ =	sdelay $0x4  }
0x1ea: {  	[tilespmem:$0x1F950] =	vst v33  }
0x1eb: {  	v33 =	vld.idx.msk [tilespmem:v19+s13+$0x0], $0xffff;
	_ =	sdelay $0x4  }
0x1ec: {  	[tilespmem:$0x1F960] =	vst v33  }
0x1ed: {  	v33 =	vld.idx.msk [tilespmem:v20+s13+$0x0], $0xffff;
	_ =	sdelay $0x4  }
0x1ee: {  	[tilespmem:$0x1F970] =	vst v33  }
0x1ef: {  	v33 =	vld.idx.msk [tilespmem:v21+s13+$0x0], $0xffff;
	_ =	sdelay $0x4  }
0x1f0: {  	[tilespmem:$0x1F980] =	vst v33  }
0x1f1: {  	v33 =	vld.idx.msk [tilespmem:v22+s13+$0x0], $0xffff;
	_ =	sdelay $0x4  }
0x1f2: {  	[tilespmem:$0x1F990] =	vst v33  }
0x1f3: {  	v33 =	vld.idx.msk [tilespmem:v23+s13+$0x0], $0xffff;
	_ =	sdelay $0x4  }
0x1f4: {  	[tilespmem:$0x1F9A0] =	vst v33  }
0x1f5: {  	v33 =	vld.idx.msk [tilespmem:v24+s13+$0x0], $0xffff;
	_ =	sdelay $0x4  }
0x1f6: {  	[tilespmem:$0x1F9B0] =	vst v33  }
0x1f7: {  	v33 =	vld.idx.msk [tilespmem:v25+s13+$0x0], $0xffff;
	_ =	sdelay $0x4  }
0x1f8: {  	[tilespmem:$0x1F9C0] =	vst v33  }
0x1f9: {  	v33 =	vld.idx.msk [tilespmem:v26+s13+$0x0], $0xffff;
	_ =	sdelay $0x4  }
0x1fa: {  	[tilespmem:$0x1F9D0] =	vst v33  }
0x1fb: {  	v33 =	vld.idx.msk [tilespmem:v27+s13+$0x0], $0xffff;
	_ =	sdelay $0x4  }
0x1fc: {  	[tilespmem:$0x1F9E0] =	vst v33  }
0x1fd: {  	v33 =	vld.idx.msk [tilespmem:v28+s13+$0x0], $0xffff;
	_ =	sdelay $0x4  }
0x1fe: {  	[tilespmem:$0x1F9F0] =	vst v33  }
0x1ff: {  	v33 =	vld.idx.msk [tilespmem:v29+s13+$0x0], $0xffff;
	_ =	sdelay $0x4  }
0x200: {  	[tilespmem:$0x1FA00] =	vst v33  }
0x201: {  	v33 =	vld.idx.msk [tilespmem:v30+s13+$0x0], $0xffff;
	_ =	sdelay $0x4  }
0x202: {  	[tilespmem:$0x1FA10] =	vst v33  }
0x203: {  	v33 =	vld.idx.msk [tilespmem:v31+s13+$0x0], $0xffff;
	_ =	sdelay $0x4  }
0x204: {  	[tilespmem:$0x1FA20] =	vst v33  }
0x205: {  	s31 =	smul.u32 $0xFA000, s21;
	v33 =	vld.idx.msk [tilespmem:v32+s13+$0x0], $0xffff;
	_ =	sdelay $0x1  }
0x206: {  	s20 =	sor.u32 s7, s31  }
0x207: {  	s20 =	sshrl.u32 s20, $0x3  }
0x208: {  	s20 =	sadd.s32 s2, s20  }
0x209: {  	s21 =	simm.s32 $0x400;
	s22 =	simm.s32 $0x17D40;
	s23 =	sadd.s32 $0x0, s20;
	[tilespmem:$0x1FA30] =	vst v33  }
.LBB2_9:
0x20a: {  	[hbm4b:s23+s8] =	stream.strided.scatter [tilespmem:s22], [sflag:$0x4], $0x100, s14, s8, $0x38;
	[tilespmem:$0x1FA40] =	vst v63  }
0x20b: {  	s23 =	smov.u32 s21;
	p0 =	sne.s32 s21, $0x1F000  }
.Ltmp3:
0x20c: {  	s21 =	sadd.s32 $0x400, s21;
	(pc) =	sbr.rel @p0 .LBB2_9-.Ltmp3, $3  }
0x20d: {  	_ =	sdelay $0x1  }
0x20e: {  	s22 =	sshra.s32 s23, $0x2  }
0x20f: {  	s23 =	sadd.s32 s23, s20;
	s22 =	sadd.s32 $0x17D40, s22  }
0x210: {  	s19 =	sadd.s32 $0x1, s19  }
0x211: {  	p0 =	sne.s32 s19, $0x19  }
.Ltmp4:
0x212: {  	_ = 	snop;
	(pc) =	sbr.rel @p0 .LBB2_2-.Ltmp4, $2  }
0x213: {  	_ =	sdelay $0x2  }
0x214: {  	[hbm4b:s23+s8] =	stream.strided.scatter [tilespmem:s22], [sflag:$0x4], $0x100, s14, s8, $0x38;
	[tilespmem:$0x1FA40] =	vst v63  }
0x215: {  	s18 =	sadd.s32 $0x1, s18  }
0x216: {  	_ =	swait.ge [sflag:s16], $0x7D00;
	p0 =	sne.s32 s18, s6  }
.Ltmp5:
0x217: {  	[sflag:s16] =	ssyncset.done $0x0;
	(pc) =	sbr.rel @p0 .LBB2_1-.Ltmp5, $4  }
0x218: {  	[sflag:s16] =	ssyncadd.s32 $0xFFFF8300  }
0x219: {  	_ =	swait.ge [sflag:s17], $0x7D00  }
0x21a: {  	[sflag:s17] =	ssyncset.done $0x0  }
0x21b: {  	[sflag:s17] =	ssyncadd.s32 $0xFFFF8300  }
0x21c: {  	_ =	sfence.sel $0x180000  }
0x21d: {  	[bflag:$0x0] =	sbarrier.arrive $0xFFFF  }
0x21e: {  	p0 =	sne.s32 s0, $0x0;
	_ =	strace $0x90000047  }
0x21f: {  	s0 =	sadd.s32 @!p0 $0x100000, s1;
	[bflag:$0x2] =	sbarrier.arrive $0xFFFF  }
0x220: {  	[sflag:s0] =	ssyncadd.tile.s32 @!p0 $0x1;
	_ =	shalt  }
.Lfunc_end2:
_tile_overlayer_lowered:
.L_overlay_start_2:
0x221: {  	(tag) =	ssettag $0x2  }
0x222: {  	s0 =	rddreg [dreg:$0x0];
	s2 =	stileid.u32  }
0x223: {  	s1 =	rddreg [dreg:$0x1];
	p0 =	sne.s32 s2, $0x0  }
0x224: {  	s3 =	rddreg [dreg:$0x2];
	[bflag:$0x3] =	sbarrier.arrive $0xFFFF;
	s2 =	simm.s32 @!p0 $0x1C05  }
0x225: {  	[timem:s3], [sflag:s2] =	dma.local @!p0 [hbm:s0], s1  }
0x226: {  	s0 =	simm.s32 @!p0 $0x5  }
0x227: {  	_ =	swait.ge @!p0 [sflag:s0], s1  }
0x228: {  	s1 =	ssub.s32 @!p0 $0x0, s1;
	[sflag:s0] =	ssyncset.done @!p0 $0x0  }
0x229: {  	[sflag:s0] =	ssyncadd.s32 @!p0 s1  }
0x22a: {  	[bflag:$0x3] =	sbarrier.arrive $0xFFFF  }
0x22b: {  	_ =	shalt  }

</sc_bundles>
